<compile_context>
chip_gen: v7x
topology: tpu7x:2x2x1
jax: 0.10.2.dev20260603
libtpu: 0.0.44.dev20260713+nightly
codegen_flags: <defaults>
</compile_context>

<pallas_src>
import functools

import jax
import jax.numpy as jnp
from jax import lax
from jax.experimental import pallas as pl
from jax.experimental.pallas import tpu as pltpu
from jax.experimental.pallas import tpu_sc as plsc

VOCAB = 1000000
EMBED = 64
BATCH = 16384
LANES = 16
IDX_CHUNK = 128

try:
    _info = plsc.get_sparse_core_info()
    _NC, _NS = _info.num_cores, _info.num_subcores
except Exception:
    _NC, _NS = 2, 16
_NW = _NC * _NS
_BPW = BATCH // _NW


def _build_sc_kernel():
    mesh = plsc.VectorSubcoreMesh(core_axis_name="c", subcore_axis_name="s")

    @functools.partial(
        pl.kernel,
        mesh=mesh,
        out_type=jax.ShapeDtypeStruct((BATCH,), jnp.float32),
        scratch_types=[
            pltpu.VMEM((_BPW,), jnp.int32),
            pltpu.VMEM((_BPW,), jnp.int32),
            pltpu.VMEM((_BPW, EMBED), jnp.float32),
            pltpu.VMEM((_BPW, EMBED), jnp.float32),
            pltpu.VMEM((_BPW,), jnp.float32),
            pltpu.SemaphoreType.DMA,
        ],
        compiler_params=pltpu.CompilerParams(use_tc_tiling_on_sc=False),
    )
    def sc_kernel(center_hbm, context_hbm, ctab_hbm, xtab_hbm, out_hbm,
                  cidx_v, xidx_v, crows_v, xrows_v, score_v, sem):
        wid = lax.axis_index("s") * _NC + lax.axis_index("c")
        base = wid * _BPW

        pltpu.sync_copy(center_hbm.at[pl.ds(base, _BPW)], cidx_v)
        pltpu.sync_copy(context_hbm.at[pl.ds(base, _BPW)], xidx_v)

        copies = []
        for k in range(_BPW // IDX_CHUNK):
            sl = pl.ds(k * IDX_CHUNK, IDX_CHUNK)
            copies.append(pltpu.async_copy(
                ctab_hbm.at[cidx_v.at[sl]], crows_v.at[sl], sem))
            copies.append(pltpu.async_copy(
                xtab_hbm.at[xidx_v.at[sl]], xrows_v.at[sl], sem))
        for cp in copies:
            cp.wait()

        lane = lax.iota(jnp.int32, LANES)
        dnums = lax.GatherDimensionNumbers(
            offset_dims=(), collapsed_slice_dims=(0,), start_index_map=(0,))

        def hsum(vec):
            for s in (1, 2, 4, 8):
                perm = lane ^ s
                vec = vec + lax.gather(
                    vec, perm[:, None], dnums, (1,),
                    mode=lax.GatherScatterMode.PROMISE_IN_BOUNDS)
            return vec

        def group_body(g, carry):
            scores = jnp.zeros((LANES,), jnp.float32)
            for r16 in range(LANES):
                r = g * LANES + r16
                acc = crows_v[r, pl.ds(0, LANES)] * xrows_v[r, pl.ds(0, LANES)]
                for j in range(1, EMBED // LANES):
                    acc = acc + (crows_v[r, pl.ds(j * LANES, LANES)]
                                 * xrows_v[r, pl.ds(j * LANES, LANES)])
                scores = jnp.where(lane == r16, hsum(acc), scores)
            score_v[pl.ds(g * LANES, LANES)] = scores
            return carry

        lax.fori_loop(0, _BPW // LANES, group_body, 0)

        pltpu.sync_copy(score_v, out_hbm.at[pl.ds(base, _BPW)])

    return sc_kernel


_sc_kernel = _build_sc_kernel()


def kernel(center, context, center_table, context_table):
    return _sc_kernel(center.astype(jnp.int32), context.astype(jnp.int32),
                      center_table, context_table)

# --- scband reference (transcript-rebuilt; emitter-appended) ---
"""Pipeline reference for scband-skip-gram-23450521437032 (READ-ONLY COPY).

The authoritative reference and input builder live on the scoring server;
editing this copy changes nothing except your own understanding.
"""

import jax, jax.numpy as jnp
import numpy as np

VOCAB = 1000000
EMBED = 64
BATCH = 16384

def setup_inputs(seed: int = 0) -> dict:
    key = jax.random.key(seed)
    k1, k2, k3, k4 = jax.random.split(key, 4)
    center = jax.random.randint(k1, (BATCH,), 0, VOCAB, dtype=jnp.int64) if jax.config.jax_enable_x64 else jax.random.randint(k1, (BATCH,), 0, VOCAB, dtype=jnp.int32)
    context = jax.random.randint(k2, (BATCH,), 0, VOCAB, dtype=jnp.int64) if jax.config.jax_enable_x64 else jax.random.randint(k2, (BATCH,), 0, VOCAB, dtype=jnp.int32)
    # learned parameters: two embedding tables (center_embed, context_embed)
    center_table = jax.random.normal(k3, (VOCAB, EMBED), dtype=jnp.float32)
    context_table = jax.random.normal(k4, (VOCAB, EMBED), dtype=jnp.float32)
    return {"center": center, "context": context, "center_table": center_table, "context_table": context_table}

def reference(center, context, center_table, context_table):
    # center_vec = self.center_embed(center)
    center_vec = jnp.take(center_table, center, axis=0)
    # context_vec = self.context_embed(context)
    context_vec = jnp.take(context_table, context, axis=0)
    # score = torch.sum(center_vec * context_vec, dim=1)
    score = jnp.sum(center_vec * context_vec, axis=1)
    return score

if __name__ == "__main__":
    import jax
    _d = setup_inputs()
    print(jax.jit(kernel)(*tuple(_d.values())))

</pallas_src>

<mosaic_0001>
#map = affine_map<(d0, d1) -> (0)>
#map1 = affine_map<(d0, d1) -> (0, 0)>
module attributes {stable_mosaic.version = 14 : i64} {
  func.func @sc_kernel(%arg0: i32, %arg1: i32, %arg2: memref<16384xi32, #tpu.memory_space<hbm>>, %arg3: memref<16384xi32, #tpu.memory_space<hbm>>, %arg4: memref<1000000x64xf32, #tpu.memory_space<hbm>>, %arg5: memref<1000000x64xf32, #tpu.memory_space<hbm>>, %arg6: memref<16384xf32, #tpu.memory_space<hbm>>, %arg7: memref<512xi32, #tpu.memory_space<vmem>>, %arg8: memref<512xi32, #tpu.memory_space<vmem>>, %arg9: memref<512x64xf32, #tpu.memory_space<vmem>>, %arg10: memref<512x64xf32, #tpu.memory_space<vmem>>, %arg11: memref<512xf32, #tpu.memory_space<vmem>>, %arg12: memref<!tpu.dma_semaphore, #tpu.memory_space<semaphore_mem>>) attributes {dimension_semantics = [#tpu.dimension_semantics<core_parallel>, #tpu.dimension_semantics<subcore_parallel>], iteration_bounds = array<i64: 2, 16>, scalar_prefetch = 0 : i64, scratch_operands = 6 : i64, tpu.core_type = #tpu.core_type<sc_vector_subcore>, window_params = [{transform_indices = #map}, {transform_indices = #map}, {transform_indices = #map1}, {transform_indices = #map1}, {transform_indices = #map}]} {
    %mul3A = arith.constant 2 : i32
    %mul3A_0 = arith.muli %arg1, %mul3A : i32
    %add3A = arith.addi %mul3A_0, %arg0 : i32
    %mul3A_1 = arith.constant 512 : i32
    %mul3A_2 = arith.muli %add3A, %mul3A_1 : i32
    "tpu.region"() ({
      %run_scoped3A = tpu.sem_alloc : memref<!tpu.dma_semaphore, #tpu.memory_space<semaphore_mem>>
      %dma_start3A_134 = tpu.memref_slice %arg2[%mul3A_2] : memref<16384xi32, #tpu.memory_space<hbm>> -> memref<512xi32, #tpu.memory_space<hbm>>
      %dma_start3A_135 = tpu.memref_slice %arg2[%mul3A_2] : memref<16384xi32, #tpu.memory_space<hbm>> -> memref<512xi32, #tpu.memory_space<hbm>>
      tpu.enqueue_dma source(%dma_start3A_135 : memref<512xi32, #tpu.memory_space<hbm>>) target(%arg7 : memref<512xi32, #tpu.memory_space<vmem>>) target_semaphore(%run_scoped3A : memref<!tpu.dma_semaphore, #tpu.memory_space<semaphore_mem>>)
      %dma_wait3A_136 = tpu.memref_slice %arg2[%mul3A_2] : memref<16384xi32, #tpu.memory_space<hbm>> -> memref<512xi32, #tpu.memory_space<hbm>>
      %dma_wait3A_137 = tpu.memref_slice %arg2[%mul3A_2] : memref<16384xi32, #tpu.memory_space<hbm>> -> memref<512xi32, #tpu.memory_space<hbm>>
      tpu.wait_dma2 semaphore(%run_scoped3A : memref<!tpu.dma_semaphore, #tpu.memory_space<semaphore_mem>>) src(%dma_wait3A_137 : memref<512xi32, #tpu.memory_space<hbm>>) dst(%arg7 : memref<512xi32, #tpu.memory_space<vmem>>)
      tpu.yield
    }) : () -> ()
    "tpu.region"() ({
      %run_scoped3A = tpu.sem_alloc : memref<!tpu.dma_semaphore, #tpu.memory_space<semaphore_mem>>
      %dma_start3A_134 = tpu.memref_slice %arg3[%mul3A_2] : memref<16384xi32, #tpu.memory_space<hbm>> -> memref<512xi32, #tpu.memory_space<hbm>>
      %dma_start3A_135 = tpu.memref_slice %arg3[%mul3A_2] : memref<16384xi32, #tpu.memory_space<hbm>> -> memref<512xi32, #tpu.memory_space<hbm>>
      tpu.enqueue_dma source(%dma_start3A_135 : memref<512xi32, #tpu.memory_space<hbm>>) target(%arg8 : memref<512xi32, #tpu.memory_space<vmem>>) target_semaphore(%run_scoped3A : memref<!tpu.dma_semaphore, #tpu.memory_space<semaphore_mem>>)
      %dma_wait3A_136 = tpu.memref_slice %arg3[%mul3A_2] : memref<16384xi32, #tpu.memory_space<hbm>> -> memref<512xi32, #tpu.memory_space<hbm>>
      %dma_wait3A_137 = tpu.memref_slice %arg3[%mul3A_2] : memref<16384xi32, #tpu.memory_space<hbm>> -> memref<512xi32, #tpu.memory_space<hbm>>
      tpu.wait_dma2 semaphore(%run_scoped3A : memref<!tpu.dma_semaphore, #tpu.memory_space<semaphore_mem>>) src(%dma_wait3A_137 : memref<512xi32, #tpu.memory_space<hbm>>) dst(%arg8 : memref<512xi32, #tpu.memory_space<vmem>>)
      tpu.yield
    }) : () -> ()
    %dma_start3A = arith.constant 0 : i32
    %dma_start3A_3 = arith.constant 0 : i32
    %dma_start3A_4 = tpu.memref_slice %arg9[%dma_start3A, %dma_start3A_3] : memref<512x64xf32, #tpu.memory_space<vmem>> -> memref<128x64xf32, #tpu.memory_space<vmem>>
    %dma_start3A_5 = arith.constant 0 : i32
    %dma_start3A_6 = tpu.memref_slice %arg7[%dma_start3A_5] : memref<512xi32, #tpu.memory_space<vmem>> -> memref<128xi32, #tpu.memory_space<vmem>>
    %dma_start3A_7 = arith.constant 0 : i32
    %dma_start3A_8 = arith.constant 0 : i32
    %dma_start3A_9 = tpu.memref_slice %arg4[%dma_start3A_7, %dma_start3A_8] : memref<1000000x64xf32, #tpu.memory_space<hbm>> -> memref<1000000x64xf32, #tpu.memory_space<hbm>>
    tpu.enqueue_indirect_dma source(%dma_start3A_9 : memref<1000000x64xf32, #tpu.memory_space<hbm>>) target(%dma_start3A_4 : memref<128x64xf32, #tpu.memory_space<vmem>>) offsets(%dma_start3A_6 : memref<128xi32, #tpu.memory_space<vmem>>) semaphore(%arg12 : memref<!tpu.dma_semaphore, #tpu.memory_space<semaphore_mem>>)
    %dma_start3A_10 = arith.constant 0 : i32
    %dma_start3A_11 = arith.constant 0 : i32
    %dma_start3A_12 = tpu.memref_slice %arg10[%dma_start3A_10, %dma_start3A_11] : memref<512x64xf32, #tpu.memory_space<vmem>> -> memref<128x64xf32, #tpu.memory_space<vmem>>
    %dma_start3A_13 = arith.constant 0 : i32
    %dma_start3A_14 = tpu.memref_slice %arg8[%dma_start3A_13] : memref<512xi32, #tpu.memory_space<vmem>> -> memref<128xi32, #tpu.memory_space<vmem>>
    %dma_start3A_15 = arith.constant 0 : i32
    %dma_start3A_16 = arith.constant 0 : i32
    %dma_start3A_17 = tpu.memref_slice %arg5[%dma_start3A_15, %dma_start3A_16] : memref<1000000x64xf32, #tpu.memory_space<hbm>> -> memref<1000000x64xf32, #tpu.memory_space<hbm>>
    tpu.enqueue_indirect_dma source(%dma_start3A_17 : memref<1000000x64xf32, #tpu.memory_space<hbm>>) target(%dma_start3A_12 : memref<128x64xf32, #tpu.memory_space<vmem>>) offsets(%dma_start3A_14 : memref<128xi32, #tpu.memory_space<vmem>>) semaphore(%arg12 : memref<!tpu.dma_semaphore, #tpu.memory_space<semaphore_mem>>)
    %dma_start3A_18 = arith.constant 128 : i32
    %dma_start3A_19 = arith.constant 0 : i32
    %dma_start3A_20 = tpu.memref_slice %arg9[%dma_start3A_18, %dma_start3A_19] : memref<512x64xf32, #tpu.memory_space<vmem>> -> memref<128x64xf32, #tpu.memory_space<vmem>>
    %dma_start3A_21 = arith.constant 128 : i32
    %dma_start3A_22 = tpu.memref_slice %arg7[%dma_start3A_21] : memref<512xi32, #tpu.memory_space<vmem>> -> memref<128xi32, #tpu.memory_space<vmem>>
    %dma_start3A_23 = arith.constant 0 : i32
    %dma_start3A_24 = arith.constant 0 : i32
    %dma_start3A_25 = tpu.memref_slice %arg4[%dma_start3A_23, %dma_start3A_24] : memref<1000000x64xf32, #tpu.memory_space<hbm>> -> memref<1000000x64xf32, #tpu.memory_space<hbm>>
    tpu.enqueue_indirect_dma source(%dma_start3A_25 : memref<1000000x64xf32, #tpu.memory_space<hbm>>) target(%dma_start3A_20 : memref<128x64xf32, #tpu.memory_space<vmem>>) offsets(%dma_start3A_22 : memref<128xi32, #tpu.memory_space<vmem>>) semaphore(%arg12 : memref<!tpu.dma_semaphore, #tpu.memory_space<semaphore_mem>>)
    %dma_start3A_26 = arith.constant 128 : i32
    %dma_start3A_27 = arith.constant 0 : i32
    %dma_start3A_28 = tpu.memref_slice %arg10[%dma_start3A_26, %dma_start3A_27] : memref<512x64xf32, #tpu.memory_space<vmem>> -> memref<128x64xf32, #tpu.memory_space<vmem>>
    %dma_start3A_29 = arith.constant 128 : i32
    %dma_start3A_30 = tpu.memref_slice %arg8[%dma_start3A_29] : memref<512xi32, #tpu.memory_space<vmem>> -> memref<128xi32, #tpu.memory_space<vmem>>
    %dma_start3A_31 = arith.constant 0 : i32
    %dma_start3A_32 = arith.constant 0 : i32
    %dma_start3A_33 = tpu.memref_slice %arg5[%dma_start3A_31, %dma_start3A_32] : memref<1000000x64xf32, #tpu.memory_space<hbm>> -> memref<1000000x64xf32, #tpu.memory_space<hbm>>
    tpu.enqueue_indirect_dma source(%dma_start3A_33 : memref<1000000x64xf32, #tpu.memory_space<hbm>>) target(%dma_start3A_28 : memref<128x64xf32, #tpu.memory_space<vmem>>) offsets(%dma_start3A_30 : memref<128xi32, #tpu.memory_space<vmem>>) semaphore(%arg12 : memref<!tpu.dma_semaphore, #tpu.memory_space<semaphore_mem>>)
    %dma_start3A_34 = arith.constant 256 : i32
    %dma_start3A_35 = arith.constant 0 : i32
    %dma_start3A_36 = tpu.memref_slice %arg9[%dma_start3A_34, %dma_start3A_35] : memref<512x64xf32, #tpu.memory_space<vmem>> -> memref<128x64xf32, #tpu.memory_space<vmem>>
    %dma_start3A_37 = arith.constant 256 : i32
    %dma_start3A_38 = tpu.memref_slice %arg7[%dma_start3A_37] : memref<512xi32, #tpu.memory_space<vmem>> -> memref<128xi32, #tpu.memory_space<vmem>>
    %dma_start3A_39 = arith.constant 0 : i32
    %dma_start3A_40 = arith.constant 0 : i32
    %dma_start3A_41 = tpu.memref_slice %arg4[%dma_start3A_39, %dma_start3A_40] : memref<1000000x64xf32, #tpu.memory_space<hbm>> -> memref<1000000x64xf32, #tpu.memory_space<hbm>>
    tpu.enqueue_indirect_dma source(%dma_start3A_41 : memref<1000000x64xf32, #tpu.memory_space<hbm>>) target(%dma_start3A_36 : memref<128x64xf32, #tpu.memory_space<vmem>>) offsets(%dma_start3A_38 : memref<128xi32, #tpu.memory_space<vmem>>) semaphore(%arg12 : memref<!tpu.dma_semaphore, #tpu.memory_space<semaphore_mem>>)
    %dma_start3A_42 = arith.constant 256 : i32
    %dma_start3A_43 = arith.constant 0 : i32
    %dma_start3A_44 = tpu.memref_slice %arg10[%dma_start3A_42, %dma_start3A_43] : memref<512x64xf32, #tpu.memory_space<vmem>> -> memref<128x64xf32, #tpu.memory_space<vmem>>
    %dma_start3A_45 = arith.constant 256 : i32
    %dma_start3A_46 = tpu.memref_slice %arg8[%dma_start3A_45] : memref<512xi32, #tpu.memory_space<vmem>> -> memref<128xi32, #tpu.memory_space<vmem>>
    %dma_start3A_47 = arith.constant 0 : i32
    %dma_start3A_48 = arith.constant 0 : i32
    %dma_start3A_49 = tpu.memref_slice %arg5[%dma_start3A_47, %dma_start3A_48] : memref<1000000x64xf32, #tpu.memory_space<hbm>> -> memref<1000000x64xf32, #tpu.memory_space<hbm>>
    tpu.enqueue_indirect_dma source(%dma_start3A_49 : memref<1000000x64xf32, #tpu.memory_space<hbm>>) target(%dma_start3A_44 : memref<128x64xf32, #tpu.memory_space<vmem>>) offsets(%dma_start3A_46 : memref<128xi32, #tpu.memory_space<vmem>>) semaphore(%arg12 : memref<!tpu.dma_semaphore, #tpu.memory_space<semaphore_mem>>)
    %dma_start3A_50 = arith.constant 384 : i32
    %dma_start3A_51 = arith.constant 0 : i32
    %dma_start3A_52 = tpu.memref_slice %arg9[%dma_start3A_50, %dma_start3A_51] : memref<512x64xf32, #tpu.memory_space<vmem>> -> memref<128x64xf32, #tpu.memory_space<vmem>>
    %dma_start3A_53 = arith.constant 384 : i32
    %dma_start3A_54 = tpu.memref_slice %arg7[%dma_start3A_53] : memref<512xi32, #tpu.memory_space<vmem>> -> memref<128xi32, #tpu.memory_space<vmem>>
    %dma_start3A_55 = arith.constant 0 : i32
    %dma_start3A_56 = arith.constant 0 : i32
    %dma_start3A_57 = tpu.memref_slice %arg4[%dma_start3A_55, %dma_start3A_56] : memref<1000000x64xf32, #tpu.memory_space<hbm>> -> memref<1000000x64xf32, #tpu.memory_space<hbm>>
    tpu.enqueue_indirect_dma source(%dma_start3A_57 : memref<1000000x64xf32, #tpu.memory_space<hbm>>) target(%dma_start3A_52 : memref<128x64xf32, #tpu.memory_space<vmem>>) offsets(%dma_start3A_54 : memref<128xi32, #tpu.memory_space<vmem>>) semaphore(%arg12 : memref<!tpu.dma_semaphore, #tpu.memory_space<semaphore_mem>>)
    %dma_start3A_58 = arith.constant 384 : i32
    %dma_start3A_59 = arith.constant 0 : i32
    %dma_start3A_60 = tpu.memref_slice %arg10[%dma_start3A_58, %dma_start3A_59] : memref<512x64xf32, #tpu.memory_space<vmem>> -> memref<128x64xf32, #tpu.memory_space<vmem>>
    %dma_start3A_61 = arith.constant 384 : i32
    %dma_start3A_62 = tpu.memref_slice %arg8[%dma_start3A_61] : memref<512xi32, #tpu.memory_space<vmem>> -> memref<128xi32, #tpu.memory_space<vmem>>
    %dma_start3A_63 = arith.constant 0 : i32
    %dma_start3A_64 = arith.constant 0 : i32
    %dma_start3A_65 = tpu.memref_slice %arg5[%dma_start3A_63, %dma_start3A_64] : memref<1000000x64xf32, #tpu.memory_space<hbm>> -> memref<1000000x64xf32, #tpu.memory_space<hbm>>
    tpu.enqueue_indirect_dma source(%dma_start3A_65 : memref<1000000x64xf32, #tpu.memory_space<hbm>>) target(%dma_start3A_60 : memref<128x64xf32, #tpu.memory_space<vmem>>) offsets(%dma_start3A_62 : memref<128xi32, #tpu.memory_space<vmem>>) semaphore(%arg12 : memref<!tpu.dma_semaphore, #tpu.memory_space<semaphore_mem>>)
    %dma_wait3A = arith.constant 0 : i32
    %dma_wait3A_66 = arith.constant 0 : i32
    %dma_wait3A_67 = tpu.memref_slice %arg9[%dma_wait3A, %dma_wait3A_66] : memref<512x64xf32, #tpu.memory_space<vmem>> -> memref<128x64xf32, #tpu.memory_space<vmem>>
    %dma_wait3A_68 = arith.constant 0 : i32
    %dma_wait3A_69 = tpu.memref_slice %arg7[%dma_wait3A_68] : memref<512xi32, #tpu.memory_space<vmem>> -> memref<128xi32, #tpu.memory_space<vmem>>
    %dma_wait3A_70 = arith.constant 0 : i32
    %dma_wait3A_71 = arith.constant 0 : i32
    %dma_wait3A_72 = tpu.memref_slice %arg4[%dma_wait3A_70, %dma_wait3A_71] : memref<1000000x64xf32, #tpu.memory_space<hbm>> -> memref<1000000x64xf32, #tpu.memory_space<hbm>>
    tpu.wait_indirect_dma semaphore(%arg12 : memref<!tpu.dma_semaphore, #tpu.memory_space<semaphore_mem>>) src(%dma_wait3A_72 : memref<1000000x64xf32, #tpu.memory_space<hbm>>) dst(%dma_wait3A_67 : memref<128x64xf32, #tpu.memory_space<vmem>>)
    %dma_wait3A_73 = arith.constant 0 : i32
    %dma_wait3A_74 = arith.constant 0 : i32
    %dma_wait3A_75 = tpu.memref_slice %arg10[%dma_wait3A_73, %dma_wait3A_74] : memref<512x64xf32, #tpu.memory_space<vmem>> -> memref<128x64xf32, #tpu.memory_space<vmem>>
    %dma_wait3A_76 = arith.constant 0 : i32
    %dma_wait3A_77 = tpu.memref_slice %arg8[%dma_wait3A_76] : memref<512xi32, #tpu.memory_space<vmem>> -> memref<128xi32, #tpu.memory_space<vmem>>
    %dma_wait3A_78 = arith.constant 0 : i32
    %dma_wait3A_79 = arith.constant 0 : i32
    %dma_wait3A_80 = tpu.memref_slice %arg5[%dma_wait3A_78, %dma_wait3A_79] : memref<1000000x64xf32, #tpu.memory_space<hbm>> -> memref<1000000x64xf32, #tpu.memory_space<hbm>>
    tpu.wait_indirect_dma semaphore(%arg12 : memref<!tpu.dma_semaphore, #tpu.memory_space<semaphore_mem>>) src(%dma_wait3A_80 : memref<1000000x64xf32, #tpu.memory_space<hbm>>) dst(%dma_wait3A_75 : memref<128x64xf32, #tpu.memory_space<vmem>>)
    %dma_wait3A_81 = arith.constant 128 : i32
    %dma_wait3A_82 = arith.constant 0 : i32
    %dma_wait3A_83 = tpu.memref_slice %arg9[%dma_wait3A_81, %dma_wait3A_82] : memref<512x64xf32, #tpu.memory_space<vmem>> -> memref<128x64xf32, #tpu.memory_space<vmem>>
    %dma_wait3A_84 = arith.constant 128 : i32
    %dma_wait3A_85 = tpu.memref_slice %arg7[%dma_wait3A_84] : memref<512xi32, #tpu.memory_space<vmem>> -> memref<128xi32, #tpu.memory_space<vmem>>
    %dma_wait3A_86 = arith.constant 0 : i32
    %dma_wait3A_87 = arith.constant 0 : i32
    %dma_wait3A_88 = tpu.memref_slice %arg4[%dma_wait3A_86, %dma_wait3A_87] : memref<1000000x64xf32, #tpu.memory_space<hbm>> -> memref<1000000x64xf32, #tpu.memory_space<hbm>>
    tpu.wait_indirect_dma semaphore(%arg12 : memref<!tpu.dma_semaphore, #tpu.memory_space<semaphore_mem>>) src(%dma_wait3A_88 : memref<1000000x64xf32, #tpu.memory_space<hbm>>) dst(%dma_wait3A_83 : memref<128x64xf32, #tpu.memory_space<vmem>>)
    %dma_wait3A_89 = arith.constant 128 : i32
    %dma_wait3A_90 = arith.constant 0 : i32
    %dma_wait3A_91 = tpu.memref_slice %arg10[%dma_wait3A_89, %dma_wait3A_90] : memref<512x64xf32, #tpu.memory_space<vmem>> -> memref<128x64xf32, #tpu.memory_space<vmem>>
    %dma_wait3A_92 = arith.constant 128 : i32
    %dma_wait3A_93 = tpu.memref_slice %arg8[%dma_wait3A_92] : memref<512xi32, #tpu.memory_space<vmem>> -> memref<128xi32, #tpu.memory_space<vmem>>
    %dma_wait3A_94 = arith.constant 0 : i32
    %dma_wait3A_95 = arith.constant 0 : i32
    %dma_wait3A_96 = tpu.memref_slice %arg5[%dma_wait3A_94, %dma_wait3A_95] : memref<1000000x64xf32, #tpu.memory_space<hbm>> -> memref<1000000x64xf32, #tpu.memory_space<hbm>>
    tpu.wait_indirect_dma semaphore(%arg12 : memref<!tpu.dma_semaphore, #tpu.memory_space<semaphore_mem>>) src(%dma_wait3A_96 : memref<1000000x64xf32, #tpu.memory_space<hbm>>) dst(%dma_wait3A_91 : memref<128x64xf32, #tpu.memory_space<vmem>>)
    %dma_wait3A_97 = arith.constant 256 : i32
    %dma_wait3A_98 = arith.constant 0 : i32
    %dma_wait3A_99 = tpu.memref_slice %arg9[%dma_wait3A_97, %dma_wait3A_98] : memref<512x64xf32, #tpu.memory_space<vmem>> -> memref<128x64xf32, #tpu.memory_space<vmem>>
    %dma_wait3A_100 = arith.constant 256 : i32
    %dma_wait3A_101 = tpu.memref_slice %arg7[%dma_wait3A_100] : memref<512xi32, #tpu.memory_space<vmem>> -> memref<128xi32, #tpu.memory_space<vmem>>
    %dma_wait3A_102 = arith.constant 0 : i32
    %dma_wait3A_103 = arith.constant 0 : i32
    %dma_wait3A_104 = tpu.memref_slice %arg4[%dma_wait3A_102, %dma_wait3A_103] : memref<1000000x64xf32, #tpu.memory_space<hbm>> -> memref<1000000x64xf32, #tpu.memory_space<hbm>>
    tpu.wait_indirect_dma semaphore(%arg12 : memref<!tpu.dma_semaphore, #tpu.memory_space<semaphore_mem>>) src(%dma_wait3A_104 : memref<1000000x64xf32, #tpu.memory_space<hbm>>) dst(%dma_wait3A_99 : memref<128x64xf32, #tpu.memory_space<vmem>>)
    %dma_wait3A_105 = arith.constant 256 : i32
    %dma_wait3A_106 = arith.constant 0 : i32
    %dma_wait3A_107 = tpu.memref_slice %arg10[%dma_wait3A_105, %dma_wait3A_106] : memref<512x64xf32, #tpu.memory_space<vmem>> -> memref<128x64xf32, #tpu.memory_space<vmem>>
    %dma_wait3A_108 = arith.constant 256 : i32
    %dma_wait3A_109 = tpu.memref_slice %arg8[%dma_wait3A_108] : memref<512xi32, #tpu.memory_space<vmem>> -> memref<128xi32, #tpu.memory_space<vmem>>
    %dma_wait3A_110 = arith.constant 0 : i32
    %dma_wait3A_111 = arith.constant 0 : i32
    %dma_wait3A_112 = tpu.memref_slice %arg5[%dma_wait3A_110, %dma_wait3A_111] : memref<1000000x64xf32, #tpu.memory_space<hbm>> -> memref<1000000x64xf32, #tpu.memory_space<hbm>>
    tpu.wait_indirect_dma semaphore(%arg12 : memref<!tpu.dma_semaphore, #tpu.memory_space<semaphore_mem>>) src(%dma_wait3A_112 : memref<1000000x64xf32, #tpu.memory_space<hbm>>) dst(%dma_wait3A_107 : memref<128x64xf32, #tpu.memory_space<vmem>>)
    %dma_wait3A_113 = arith.constant 384 : i32
    %dma_wait3A_114 = arith.constant 0 : i32
    %dma_wait3A_115 = tpu.memref_slice %arg9[%dma_wait3A_113, %dma_wait3A_114] : memref<512x64xf32, #tpu.memory_space<vmem>> -> memref<128x64xf32, #tpu.memory_space<vmem>>
    %dma_wait3A_116 = arith.constant 384 : i32
    %dma_wait3A_117 = tpu.memref_slice %arg7[%dma_wait3A_116] : memref<512xi32, #tpu.memory_space<vmem>> -> memref<128xi32, #tpu.memory_space<vmem>>
    %dma_wait3A_118 = arith.constant 0 : i32
    %dma_wait3A_119 = arith.constant 0 : i32
    %dma_wait3A_120 = tpu.memref_slice %arg4[%dma_wait3A_118, %dma_wait3A_119] : memref<1000000x64xf32, #tpu.memory_space<hbm>> -> memref<1000000x64xf32, #tpu.memory_space<hbm>>
    tpu.wait_indirect_dma semaphore(%arg12 : memref<!tpu.dma_semaphore, #tpu.memory_space<semaphore_mem>>) src(%dma_wait3A_120 : memref<1000000x64xf32, #tpu.memory_space<hbm>>) dst(%dma_wait3A_115 : memref<128x64xf32, #tpu.memory_space<vmem>>)
    %dma_wait3A_121 = arith.constant 384 : i32
    %dma_wait3A_122 = arith.constant 0 : i32
    %dma_wait3A_123 = tpu.memref_slice %arg10[%dma_wait3A_121, %dma_wait3A_122] : memref<512x64xf32, #tpu.memory_space<vmem>> -> memref<128x64xf32, #tpu.memory_space<vmem>>
    %dma_wait3A_124 = arith.constant 384 : i32
    %dma_wait3A_125 = tpu.memref_slice %arg8[%dma_wait3A_124] : memref<512xi32, #tpu.memory_space<vmem>> -> memref<128xi32, #tpu.memory_space<vmem>>
    %dma_wait3A_126 = arith.constant 0 : i32
    %dma_wait3A_127 = arith.constant 0 : i32
    %dma_wait3A_128 = tpu.memref_slice %arg5[%dma_wait3A_126, %dma_wait3A_127] : memref<1000000x64xf32, #tpu.memory_space<hbm>> -> memref<1000000x64xf32, #tpu.memory_space<hbm>>
    tpu.wait_indirect_dma semaphore(%arg12 : memref<!tpu.dma_semaphore, #tpu.memory_space<semaphore_mem>>) src(%dma_wait3A_128 : memref<1000000x64xf32, #tpu.memory_space<hbm>>) dst(%dma_wait3A_123 : memref<128x64xf32, #tpu.memory_space<vmem>>)
    %iota3A = tpu.iota {dimensions = array<i32: 0>} : vector<16xi32>
    %scan3A = arith.constant 0 : i32
    %scan3A_129 = arith.constant 0 : i32
    %scan3A_130 = arith.constant 32 : i32
    %scan3A_131 = arith.addi %scan3A_129, %scan3A_130 : i32
    %scan3A_132 = arith.constant 1 : i32
    scf.for %scan3A_134 = %scan3A_129 to %scan3A_131 step %scan3A_132  : i32 {
      %broadcast_in_dim3A = arith.constant 0.000000e+00 : f32
      %broadcast_in_dim3A_135 = vector.broadcast %broadcast_in_dim3A : f32 to vector<16xf32>
      %mul3A_136 = arith.constant 16 : i32
      %mul3A_137 = arith.muli %scan3A_134, %mul3A_136 : i32
      %add3A_138 = arith.constant 0 : i32
      %add3A_139 = arith.addi %mul3A_137, %add3A_138 : i32
      %get3A = arith.index_cast %add3A_139 : i32 to index
      %get3A_140 = arith.constant 0 : index
      %get3A_141 = tpu.vector_load %arg9[%get3A, %get3A_140] {strides = array<i32>} : memref<512x64xf32, #tpu.memory_space<vmem>>, vector<1x16xf32>,
      %get3A_142 = vector.shape_cast %get3A_141 : vector<1x16xf32> to vector<16xf32>
      %get3A_143 = arith.index_cast %add3A_139 : i32 to index
      %get3A_144 = arith.constant 0 : index
      %get3A_145 = tpu.vector_load %arg10[%get3A_143, %get3A_144] {strides = array<i32>} : memref<512x64xf32, #tpu.memory_space<vmem>>, vector<1x16xf32>,
      %get3A_146 = vector.shape_cast %get3A_145 : vector<1x16xf32> to vector<16xf32>
      %mul3A_147 = arith.mulf %get3A_142, %get3A_146 : vector<16xf32>
      %get3A_148 = arith.index_cast %add3A_139 : i32 to index
      %get3A_149 = arith.constant 16 : index
      %get3A_150 = tpu.vector_load %arg9[%get3A_148, %get3A_149] {strides = array<i32>} : memref<512x64xf32, #tpu.memory_space<vmem>>, vector<1x16xf32>,
      %get3A_151 = vector.shape_cast %get3A_150 : vector<1x16xf32> to vector<16xf32>
      %get3A_152 = arith.index_cast %add3A_139 : i32 to index
      %get3A_153 = arith.constant 16 : index
      %get3A_154 = tpu.vector_load %arg10[%get3A_152, %get3A_153] {strides = array<i32>} : memref<512x64xf32, #tpu.memory_space<vmem>>, vector<1x16xf32>,
      %get3A_155 = vector.shape_cast %get3A_154 : vector<1x16xf32> to vector<16xf32>
      %mul3A_156 = arith.mulf %get3A_151, %get3A_155 : vector<16xf32>
      %add3A_157 = arith.addf %mul3A_147, %mul3A_156 : vector<16xf32>
      %get3A_158 = arith.index_cast %add3A_139 : i32 to index
      %get3A_159 = arith.constant 32 : index
      %get3A_160 = tpu.vector_load %arg9[%get3A_158, %get3A_159] {strides = array<i32>} : memref<512x64xf32, #tpu.memory_space<vmem>>, vector<1x16xf32>,
      %get3A_161 = vector.shape_cast %get3A_160 : vector<1x16xf32> to vector<16xf32>
      %get3A_162 = arith.index_cast %add3A_139 : i32 to index
      %get3A_163 = arith.constant 32 : index
      %get3A_164 = tpu.vector_load %arg10[%get3A_162, %get3A_163] {strides = array<i32>} : memref<512x64xf32, #tpu.memory_space<vmem>>, vector<1x16xf32>,
      %get3A_165 = vector.shape_cast %get3A_164 : vector<1x16xf32> to vector<16xf32>
      %mul3A_166 = arith.mulf %get3A_161, %get3A_165 : vector<16xf32>
      %add3A_167 = arith.addf %add3A_157, %mul3A_166 : vector<16xf32>
      %get3A_168 = arith.index_cast %add3A_139 : i32 to index
      %get3A_169 = arith.constant 48 : index
      %get3A_170 = tpu.vector_load %arg9[%get3A_168, %get3A_169] {strides = array<i32>} : memref<512x64xf32, #tpu.memory_space<vmem>>, vector<1x16xf32>,
      %get3A_171 = vector.shape_cast %get3A_170 : vector<1x16xf32> to vector<16xf32>
      %get3A_172 = arith.index_cast %add3A_139 : i32 to index
      %get3A_173 = arith.constant 48 : index
      %get3A_174 = tpu.vector_load %arg10[%get3A_172, %get3A_173] {strides = array<i32>} : memref<512x64xf32, #tpu.memory_space<vmem>>, vector<1x16xf32>,
      %get3A_175 = vector.shape_cast %get3A_174 : vector<1x16xf32> to vector<16xf32>
      %mul3A_176 = arith.mulf %get3A_171, %get3A_175 : vector<16xf32>
      %add3A_177 = arith.addf %add3A_167, %mul3A_176 : vector<16xf32>
      %eq3A = arith.constant 0 : i32
      %eq3A_178 = vector.broadcast %eq3A : i32 to vector<16xi32>
      %eq3A_179 = arith.cmpi eq, %iota3A, %eq3A_178 : vector<16xi32>
      %xor3A = arith.constant 1 : i32
      %xor3A_180 = vector.broadcast %xor3A : i32 to vector<16xi32>
      %xor3A_181 = arith.xori %iota3A, %xor3A_180 : vector<16xi32>
      %broadcast_in_dim3A_182 = vector.shape_cast %xor3A_181 : vector<16xi32> to vector<16x1xi32>
      %gather3A = vector.shape_cast %broadcast_in_dim3A_182 : vector<16x1xi32> to vector<16xi32>
      %gather3A_183 = tpu.dynamic_gather %add3A_177[%gather3A] in [0] : vector<16xf32>, vector<16xi32> -> vector<16xf32>
      %add3A_184 = arith.addf %add3A_177, %gather3A_183 : vector<16xf32>
      %xor3A_185 = arith.constant 2 : i32
      %xor3A_186 = vector.broadcast %xor3A_185 : i32 to vector<16xi32>
      %xor3A_187 = arith.xori %iota3A, %xor3A_186 : vector<16xi32>
      %broadcast_in_dim3A_188 = vector.shape_cast %xor3A_187 : vector<16xi32> to vector<16x1xi32>
      %gather3A_189 = vector.shape_cast %broadcast_in_dim3A_188 : vector<16x1xi32> to vector<16xi32>
      %gather3A_190 = tpu.dynamic_gather %add3A_184[%gather3A_189] in [0] : vector<16xf32>, vector<16xi32> -> vector<16xf32>
      %add3A_191 = arith.addf %add3A_184, %gather3A_190 : vector<16xf32>
      %xor3A_192 = arith.constant 4 : i32
      %xor3A_193 = vector.broadcast %xor3A_192 : i32 to vector<16xi32>
      %xor3A_194 = arith.xori %iota3A, %xor3A_193 : vector<16xi32>
      %broadcast_in_dim3A_195 = vector.shape_cast %xor3A_194 : vector<16xi32> to vector<16x1xi32>
      %gather3A_196 = vector.shape_cast %broadcast_in_dim3A_195 : vector<16x1xi32> to vector<16xi32>
      %gather3A_197 = tpu.dynamic_gather %add3A_191[%gather3A_196] in [0] : vector<16xf32>, vector<16xi32> -> vector<16xf32>
      %add3A_198 = arith.addf %add3A_191, %gather3A_197 : vector<16xf32>
      %xor3A_199 = arith.constant 8 : i32
      %xor3A_200 = vector.broadcast %xor3A_199 : i32 to vector<16xi32>
      %xor3A_201 = arith.xori %iota3A, %xor3A_200 : vector<16xi32>
      %broadcast_in_dim3A_202 = vector.shape_cast %xor3A_201 : vector<16xi32> to vector<16x1xi32>
      %gather3A_203 = vector.shape_cast %broadcast_in_dim3A_202 : vector<16x1xi32> to vector<16xi32>
      %gather3A_204 = tpu.dynamic_gather %add3A_198[%gather3A_203] in [0] : vector<16xf32>, vector<16xi32> -> vector<16xf32>
      %add3A_205 = arith.addf %add3A_198, %gather3A_204 : vector<16xf32>
      %select_n3A = arith.select %eq3A_179, %add3A_205, %broadcast_in_dim3A_135 : vector<16xi1>, vector<16xf32>
      %mul3A_206 = arith.constant 16 : i32
      %mul3A_207 = arith.muli %scan3A_134, %mul3A_206 : i32
      %add3A_208 = arith.constant 1 : i32
      %add3A_209 = arith.addi %mul3A_207, %add3A_208 : i32
      %get3A_210 = arith.index_cast %add3A_209 : i32 to index
      %get3A_211 = arith.constant 0 : index
      %get3A_212 = tpu.vector_load %arg9[%get3A_210, %get3A_211] {strides = array<i32>} : memref<512x64xf32, #tpu.memory_space<vmem>>, vector<1x16xf32>,
      %get3A_213 = vector.shape_cast %get3A_212 : vector<1x16xf32> to vector<16xf32>
      %get3A_214 = arith.index_cast %add3A_209 : i32 to index
      %get3A_215 = arith.constant 0 : index
      %get3A_216 = tpu.vector_load %arg10[%get3A_214, %get3A_215] {strides = array<i32>} : memref<512x64xf32, #tpu.memory_space<vmem>>, vector<1x16xf32>,
      %get3A_217 = vector.shape_cast %get3A_216 : vector<1x16xf32> to vector<16xf32>
      %mul3A_218 = arith.mulf %get3A_213, %get3A_217 : vector<16xf32>
      %get3A_219 = arith.index_cast %add3A_209 : i32 to index
      %get3A_220 = arith.constant 16 : index
      %get3A_221 = tpu.vector_load %arg9[%get3A_219, %get3A_220] {strides = array<i32>} : memref<512x64xf32, #tpu.memory_space<vmem>>, vector<1x16xf32>,
      %get3A_222 = vector.shape_cast %get3A_221 : vector<1x16xf32> to vector<16xf32>
      %get3A_223 = arith.index_cast %add3A_209 : i32 to index
      %get3A_224 = arith.constant 16 : index
      %get3A_225 = tpu.vector_load %arg10[%get3A_223, %get3A_224] {strides = array<i32>} : memref<512x64xf32, #tpu.memory_space<vmem>>, vector<1x16xf32>,
      %get3A_226 = vector.shape_cast %get3A_225 : vector<1x16xf32> to vector<16xf32>
      %mul3A_227 = arith.mulf %get3A_222, %get3A_226 : vector<16xf32>
      %add3A_228 = arith.addf %mul3A_218, %mul3A_227 : vector<16xf32>
      %get3A_229 = arith.index_cast %add3A_209 : i32 to index
      %get3A_230 = arith.constant 32 : index
      %get3A_231 = tpu.vector_load %arg9[%get3A_229, %get3A_230] {strides = array<i32>} : memref<512x64xf32, #tpu.memory_space<vmem>>, vector<1x16xf32>,
      %get3A_232 = vector.shape_cast %get3A_231 : vector<1x16xf32> to vector<16xf32>
      %get3A_233 = arith.index_cast %add3A_209 : i32 to index
      %get3A_234 = arith.constant 32 : index
      %get3A_235 = tpu.vector_load %arg10[%get3A_233, %get3A_234] {strides = array<i32>} : memref<512x64xf32, #tpu.memory_space<vmem>>, vector<1x16xf32>,
      %get3A_236 = vector.shape_cast %get3A_235 : vector<1x16xf32> to vector<16xf32>
      %mul3A_237 = arith.mulf %get3A_232, %get3A_236 : vector<16xf32>
      %add3A_238 = arith.addf %add3A_228, %mul3A_237 : vector<16xf32>
      %get3A_239 = arith.index_cast %add3A_209 : i32 to index
      %get3A_240 = arith.constant 48 : index
      %get3A_241 = tpu.vector_load %arg9[%get3A_239, %get3A_240] {strides = array<i32>} : memref<512x64xf32, #tpu.memory_space<vmem>>, vector<1x16xf32>,
      %get3A_242 = vector.shape_cast %get3A_241 : vector<1x16xf32> to vector<16xf32>
      %get3A_243 = arith.index_cast %add3A_209 : i32 to index
      %get3A_244 = arith.constant 48 : index
      %get3A_245 = tpu.vector_load %arg10[%get3A_243, %get3A_244] {strides = array<i32>} : memref<512x64xf32, #tpu.memory_space<vmem>>, vector<1x16xf32>,
      %get3A_246 = vector.shape_cast %get3A_245 : vector<1x16xf32> to vector<16xf32>
      %mul3A_247 = arith.mulf %get3A_242, %get3A_246 : vector<16xf32>
      %add3A_248 = arith.addf %add3A_238, %mul3A_247 : vector<16xf32>
      %eq3A_249 = arith.constant 1 : i32
      %eq3A_250 = vector.broadcast %eq3A_249 : i32 to vector<16xi32>
      %eq3A_251 = arith.cmpi eq, %iota3A, %eq3A_250 : vector<16xi32>
      %xor3A_252 = arith.constant 1 : i32
      %xor3A_253 = vector.broadcast %xor3A_252 : i32 to vector<16xi32>
      %xor3A_254 = arith.xori %iota3A, %xor3A_253 : vector<16xi32>
      %broadcast_in_dim3A_255 = vector.shape_cast %xor3A_254 : vector<16xi32> to vector<16x1xi32>
      %gather3A_256 = vector.shape_cast %broadcast_in_dim3A_255 : vector<16x1xi32> to vector<16xi32>
      %gather3A_257 = tpu.dynamic_gather %add3A_248[%gather3A_256] in [0] : vector<16xf32>, vector<16xi32> -> vector<16xf32>
      %add3A_258 = arith.addf %add3A_248, %gather3A_257 : vector<16xf32>
      %xor3A_259 = arith.constant 2 : i32
      %xor3A_260 = vector.broadcast %xor3A_259 : i32 to vector<16xi32>
      %xor3A_261 = arith.xori %iota3A, %xor3A_260 : vector<16xi32>
      %broadcast_in_dim3A_262 = vector.shape_cast %xor3A_261 : vector<16xi32> to vector<16x1xi32>
      %gather3A_263 = vector.shape_cast %broadcast_in_dim3A_262 : vector<16x1xi32> to vector<16xi32>
      %gather3A_264 = tpu.dynamic_gather %add3A_258[%gather3A_263] in [0] : vector<16xf32>, vector<16xi32> -> vector<16xf32>
      %add3A_265 = arith.addf %add3A_258, %gather3A_264 : vector<16xf32>
      %xor3A_266 = arith.constant 4 : i32
      %xor3A_267 = vector.broadcast %xor3A_266 : i32 to vector<16xi32>
      %xor3A_268 = arith.xori %iota3A, %xor3A_267 : vector<16xi32>
      %broadcast_in_dim3A_269 = vector.shape_cast %xor3A_268 : vector<16xi32> to vector<16x1xi32>
      %gather3A_270 = vector.shape_cast %broadcast_in_dim3A_269 : vector<16x1xi32> to vector<16xi32>
      %gather3A_271 = tpu.dynamic_gather %add3A_265[%gather3A_270] in [0] : vector<16xf32>, vector<16xi32> -> vector<16xf32>
      %add3A_272 = arith.addf %add3A_265, %gather3A_271 : vector<16xf32>
      %xor3A_273 = arith.constant 8 : i32
      %xor3A_274 = vector.broadcast %xor3A_273 : i32 to vector<16xi32>
      %xor3A_275 = arith.xori %iota3A, %xor3A_274 : vector<16xi32>
      %broadcast_in_dim3A_276 = vector.shape_cast %xor3A_275 : vector<16xi32> to vector<16x1xi32>
      %gather3A_277 = vector.shape_cast %broadcast_in_dim3A_276 : vector<16x1xi32> to vector<16xi32>
      %gather3A_278 = tpu.dynamic_gather %add3A_272[%gather3A_277] in [0] : vector<16xf32>, vector<16xi32> -> vector<16xf32>
      %add3A_279 = arith.addf %add3A_272, %gather3A_278 : vector<16xf32>
      %select_n3A_280 = arith.select %eq3A_251, %add3A_279, %select_n3A : vector<16xi1>, vector<16xf32>
      %mul3A_281 = arith.constant 16 : i32
      %mul3A_282 = arith.muli %scan3A_134, %mul3A_281 : i32
      %add3A_283 = arith.constant 2 : i32
      %add3A_284 = arith.addi %mul3A_282, %add3A_283 : i32
      %get3A_285 = arith.index_cast %add3A_284 : i32 to index
      %get3A_286 = arith.constant 0 : index
      %get3A_287 = tpu.vector_load %arg9[%get3A_285, %get3A_286] {strides = array<i32>} : memref<512x64xf32, #tpu.memory_space<vmem>>, vector<1x16xf32>,
      %get3A_288 = vector.shape_cast %get3A_287 : vector<1x16xf32> to vector<16xf32>
      %get3A_289 = arith.index_cast %add3A_284 : i32 to index
      %get3A_290 = arith.constant 0 : index
      %get3A_291 = tpu.vector_load %arg10[%get3A_289, %get3A_290] {strides = array<i32>} : memref<512x64xf32, #tpu.memory_space<vmem>>, vector<1x16xf32>,
      %get3A_292 = vector.shape_cast %get3A_291 : vector<1x16xf32> to vector<16xf32>
      %mul3A_293 = arith.mulf %get3A_288, %get3A_292 : vector<16xf32>
      %get3A_294 = arith.index_cast %add3A_284 : i32 to index
      %get3A_295 = arith.constant 16 : index
      %get3A_296 = tpu.vector_load %arg9[%get3A_294, %get3A_295] {strides = array<i32>} : memref<512x64xf32, #tpu.memory_space<vmem>>, vector<1x16xf32>,
      %get3A_297 = vector.shape_cast %get3A_296 : vector<1x16xf32> to vector<16xf32>
      %get3A_298 = arith.index_cast %add3A_284 : i32 to index
      %get3A_299 = arith.constant 16 : index
      %get3A_300 = tpu.vector_load %arg10[%get3A_298, %get3A_299] {strides = array<i32>} : memref<512x64xf32, #tpu.memory_space<vmem>>, vector<1x16xf32>,
      %get3A_301 = vector.shape_cast %get3A_300 : vector<1x16xf32> to vector<16xf32>
      %mul3A_302 = arith.mulf %get3A_297, %get3A_301 : vector<16xf32>
      %add3A_303 = arith.addf %mul3A_293, %mul3A_302 : vector<16xf32>
      %get3A_304 = arith.index_cast %add3A_284 : i32 to index
      %get3A_305 = arith.constant 32 : index
      %get3A_306 = tpu.vector_load %arg9[%get3A_304, %get3A_305] {strides = array<i32>} : memref<512x64xf32, #tpu.memory_space<vmem>>, vector<1x16xf32>,
      %get3A_307 = vector.shape_cast %get3A_306 : vector<1x16xf32> to vector<16xf32>
      %get3A_308 = arith.index_cast %add3A_284 : i32 to index
      %get3A_309 = arith.constant 32 : index
      %get3A_310 = tpu.vector_load %arg10[%get3A_308, %get3A_309] {strides = array<i32>} : memref<512x64xf32, #tpu.memory_space<vmem>>, vector<1x16xf32>,
      %get3A_311 = vector.shape_cast %get3A_310 : vector<1x16xf32> to vector<16xf32>
      %mul3A_312 = arith.mulf %get3A_307, %get3A_311 : vector<16xf32>
      %add3A_313 = arith.addf %add3A_303, %mul3A_312 : vector<16xf32>
      %get3A_314 = arith.index_cast %add3A_284 : i32 to index
      %get3A_315 = arith.constant 48 : index
      %get3A_316 = tpu.vector_load %arg9[%get3A_314, %get3A_315] {strides = array<i32>} : memref<512x64xf32, #tpu.memory_space<vmem>>, vector<1x16xf32>,
      %get3A_317 = vector.shape_cast %get3A_316 : vector<1x16xf32> to vector<16xf32>
      %get3A_318 = arith.index_cast %add3A_284 : i32 to index
      %get3A_319 = arith.constant 48 : index
      %get3A_320 = tpu.vector_load %arg10[%get3A_318, %get3A_319] {strides = array<i32>} : memref<512x64xf32, #tpu.memory_space<vmem>>, vector<1x16xf32>,
      %get3A_321 = vector.shape_cast %get3A_320 : vector<1x16xf32> to vector<16xf32>
      %mul3A_322 = arith.mulf %get3A_317, %get3A_321 : vector<16xf32>
      %add3A_323 = arith.addf %add3A_313, %mul3A_322 : vector<16xf32>
      %eq3A_324 = arith.constant 2 : i32
      %eq3A_325 = vector.broadcast %eq3A_324 : i32 to vector<16xi32>
      %eq3A_326 = arith.cmpi eq, %iota3A, %eq3A_325 : vector<16xi32>
      %xor3A_327 = arith.constant 1 : i32
      %xor3A_328 = vector.broadcast %xor3A_327 : i32 to vector<16xi32>
      %xor3A_329 = arith.xori %iota3A, %xor3A_328 : vector<16xi32>
      %broadcast_in_dim3A_330 = vector.shape_cast %xor3A_329 : vector<16xi32> to vector<16x1xi32>
      %gather3A_331 = vector.shape_cast %broadcast_in_dim3A_330 : vector<16x1xi32> to vector<16xi32>
      %gather3A_332 = tpu.dynamic_gather %add3A_323[%gather3A_331] in [0] : vector<16xf32>, vector<16xi32> -> vector<16xf32>
      %add3A_333 = arith.addf %add3A_323, %gather3A_332 : vector<16xf32>
      %xor3A_334 = arith.constant 2 : i32
      %xor3A_335 = vector.broadcast %xor3A_334 : i32 to vector<16xi32>
      %xor3A_336 = arith.xori %iota3A, %xor3A_335 : vector<16xi32>
      %broadcast_in_dim3A_337 = vector.shape_cast %xor3A_336 : vector<16xi32> to vector<16x1xi32>
      %gather3A_338 = vector.shape_cast %broadcast_in_dim3A_337 : vector<16x1xi32> to vector<16xi32>
      %gather3A_339 = tpu.dynamic_gather %add3A_333[%gather3A_338] in [0] : vector<16xf32>, vector<16xi32> -> vector<16xf32>
      %add3A_340 = arith.addf %add3A_333, %gather3A_339 : vector<16xf32>
      %xor3A_341 = arith.constant 4 : i32
      %xor3A_342 = vector.broadcast %xor3A_341 : i32 to vector<16xi32>
      %xor3A_343 = arith.xori %iota3A, %xor3A_342 : vector<16xi32>
      %broadcast_in_dim3A_344 = vector.shape_cast %xor3A_343 : vector<16xi32> to vector<16x1xi32>
      %gather3A_345 = vector.shape_cast %broadcast_in_dim3A_344 : vector<16x1xi32> to vector<16xi32>
      %gather3A_346 = tpu.dynamic_gather %add3A_340[%gather3A_345] in [0] : vector<16xf32>, vector<16xi32> -> vector<16xf32>
      %add3A_347 = arith.addf %add3A_340, %gather3A_346 : vector<16xf32>
      %xor3A_348 = arith.constant 8 : i32
      %xor3A_349 = vector.broadcast %xor3A_348 : i32 to vector<16xi32>
      %xor3A_350 = arith.xori %iota3A, %xor3A_349 : vector<16xi32>
      %broadcast_in_dim3A_351 = vector.shape_cast %xor3A_350 : vector<16xi32> to vector<16x1xi32>
      %gather3A_352 = vector.shape_cast %broadcast_in_dim3A_351 : vector<16x1xi32> to vector<16xi32>
      %gather3A_353 = tpu.dynamic_gather %add3A_347[%gather3A_352] in [0] : vector<16xf32>, vector<16xi32> -> vector<16xf32>
      %add3A_354 = arith.addf %add3A_347, %gather3A_353 : vector<16xf32>
      %select_n3A_355 = arith.select %eq3A_326, %add3A_354, %select_n3A_280 : vector<16xi1>, vector<16xf32>
      %mul3A_356 = arith.constant 16 : i32
      %mul3A_357 = arith.muli %scan3A_134, %mul3A_356 : i32
      %add3A_358 = arith.constant 3 : i32
      %add3A_359 = arith.addi %mul3A_357, %add3A_358 : i32
      %get3A_360 = arith.index_cast %add3A_359 : i32 to index
      %get3A_361 = arith.constant 0 : index
      %get3A_362 = tpu.vector_load %arg9[%get3A_360, %get3A_361] {strides = array<i32>} : memref<512x64xf32, #tpu.memory_space<vmem>>, vector<1x16xf32>,
      %get3A_363 = vector.shape_cast %get3A_362 : vector<1x16xf32> to vector<16xf32>
      %get3A_364 = arith.index_cast %add3A_359 : i32 to index
      %get3A_365 = arith.constant 0 : index
      %get3A_366 = tpu.vector_load %arg10[%get3A_364, %get3A_365] {strides = array<i32>} : memref<512x64xf32, #tpu.memory_space<vmem>>, vector<1x16xf32>,
      %get3A_367 = vector.shape_cast %get3A_366 : vector<1x16xf32> to vector<16xf32>
      %mul3A_368 = arith.mulf %get3A_363, %get3A_367 : vector<16xf32>
      %get3A_369 = arith.index_cast %add3A_359 : i32 to index
      %get3A_370 = arith.constant 16 : index
      %get3A_371 = tpu.vector_load %arg9[%get3A_369, %get3A_370] {strides = array<i32>} : memref<512x64xf32, #tpu.memory_space<vmem>>, vector<1x16xf32>,
      %get3A_372 = vector.shape_cast %get3A_371 : vector<1x16xf32> to vector<16xf32>
      %get3A_373 = arith.index_cast %add3A_359 : i32 to index
      %get3A_374 = arith.constant 16 : index
      %get3A_375 = tpu.vector_load %arg10[%get3A_373, %get3A_374] {strides = array<i32>} : memref<512x64xf32, #tpu.memory_space<vmem>>, vector<1x16xf32>,
      %get3A_376 = vector.shape_cast %get3A_375 : vector<1x16xf32> to vector<16xf32>
      %mul3A_377 = arith.mulf %get3A_372, %get3A_376 : vector<16xf32>
      %add3A_378 = arith.addf %mul3A_368, %mul3A_377 : vector<16xf32>
      %get3A_379 = arith.index_cast %add3A_359 : i32 to index
      %get3A_380 = arith.constant 32 : index
      %get3A_381 = tpu.vector_load %arg9[%get3A_379, %get3A_380] {strides = array<i32>} : memref<512x64xf32, #tpu.memory_space<vmem>>, vector<1x16xf32>,
      %get3A_382 = vector.shape_cast %get3A_381 : vector<1x16xf32> to vector<16xf32>
      %get3A_383 = arith.index_cast %add3A_359 : i32 to index
      %get3A_384 = arith.constant 32 : index
      %get3A_385 = tpu.vector_load %arg10[%get3A_383, %get3A_384] {strides = array<i32>} : memref<512x64xf32, #tpu.memory_space<vmem>>, vector<1x16xf32>,
      %get3A_386 = vector.shape_cast %get3A_385 : vector<1x16xf32> to vector<16xf32>
      %mul3A_387 = arith.mulf %get3A_382, %get3A_386 : vector<16xf32>
      %add3A_388 = arith.addf %add3A_378, %mul3A_387 : vector<16xf32>
      %get3A_389 = arith.index_cast %add3A_359 : i32 to index
      %get3A_390 = arith.constant 48 : index
      %get3A_391 = tpu.vector_load %arg9[%get3A_389, %get3A_390] {strides = array<i32>} : memref<512x64xf32, #tpu.memory_space<vmem>>, vector<1x16xf32>,
      %get3A_392 = vector.shape_cast %get3A_391 : vector<1x16xf32> to vector<16xf32>
      %get3A_393 = arith.index_cast %add3A_359 : i32 to index
      %get3A_394 = arith.constant 48 : index
      %get3A_395 = tpu.vector_load %arg10[%get3A_393, %get3A_394] {strides = array<i32>} : memref<512x64xf32, #tpu.memory_space<vmem>>, vector<1x16xf32>,
      %get3A_396 = vector.shape_cast %get3A_395 : vector<1x16xf32> to vector<16xf32>
      %mul3A_397 = arith.mulf %get3A_392, %get3A_396 : vector<16xf32>
      %add3A_398 = arith.addf %add3A_388, %mul3A_397 : vector<16xf32>
      %eq3A_399 = arith.constant 3 : i32
      %eq3A_400 = vector.broadcast %eq3A_399 : i32 to vector<16xi32>
      %eq3A_401 = arith.cmpi eq, %iota3A, %eq3A_400 : vector<16xi32>
      %xor3A_402 = arith.constant 1 : i32
      %xor3A_403 = vector.broadcast %xor3A_402 : i32 to vector<16xi32>
      %xor3A_404 = arith.xori %iota3A, %xor3A_403 : vector<16xi32>
      %broadcast_in_dim3A_405 = vector.shape_cast %xor3A_404 : vector<16xi32> to vector<16x1xi32>
      %gather3A_406 = vector.shape_cast %broadcast_in_dim3A_405 : vector<16x1xi32> to vector<16xi32>
      %gather3A_407 = tpu.dynamic_gather %add3A_398[%gather3A_406] in [0] : vector<16xf32>, vector<16xi32> -> vector<16xf32>
      %add3A_408 = arith.addf %add3A_398, %gather3A_407 : vector<16xf32>
      %xor3A_409 = arith.constant 2 : i32
      %xor3A_410 = vector.broadcast %xor3A_409 : i32 to vector<16xi32>
      %xor3A_411 = arith.xori %iota3A, %xor3A_410 : vector<16xi32>
      %broadcast_in_dim3A_412 = vector.shape_cast %xor3A_411 : vector<16xi32> to vector<16x1xi32>
      %gather3A_413 = vector.shape_cast %broadcast_in_dim3A_412 : vector<16x1xi32> to vector<16xi32>
      %gather3A_414 = tpu.dynamic_gather %add3A_408[%gather3A_413] in [0] : vector<16xf32>, vector<16xi32> -> vector<16xf32>
      %add3A_415 = arith.addf %add3A_408, %gather3A_414 : vector<16xf32>
      %xor3A_416 = arith.constant 4 : i32
      %xor3A_417 = vector.broadcast %xor3A_416 : i32 to vector<16xi32>
      %xor3A_418 = arith.xori %iota3A, %xor3A_417 : vector<16xi32>
      %broadcast_in_dim3A_419 = vector.shape_cast %xor3A_418 : vector<16xi32> to vector<16x1xi32>
      %gather3A_420 = vector.shape_cast %broadcast_in_dim3A_419 : vector<16x1xi32> to vector<16xi32>
      %gather3A_421 = tpu.dynamic_gather %add3A_415[%gather3A_420] in [0] : vector<16xf32>, vector<16xi32> -> vector<16xf32>
      %add3A_422 = arith.addf %add3A_415, %gather3A_421 : vector<16xf32>
      %xor3A_423 = arith.constant 8 : i32
      %xor3A_424 = vector.broadcast %xor3A_423 : i32 to vector<16xi32>
      %xor3A_425 = arith.xori %iota3A, %xor3A_424 : vector<16xi32>
      %broadcast_in_dim3A_426 = vector.shape_cast %xor3A_425 : vector<16xi32> to vector<16x1xi32>
      %gather3A_427 = vector.shape_cast %broadcast_in_dim3A_426 : vector<16x1xi32> to vector<16xi32>
      %gather3A_428 = tpu.dynamic_gather %add3A_422[%gather3A_427] in [0] : vector<16xf32>, vector<16xi32> -> vector<16xf32>
      %add3A_429 = arith.addf %add3A_422, %gather3A_428 : vector<16xf32>
      %select_n3A_430 = arith.select %eq3A_401, %add3A_429, %select_n3A_355 : vector<16xi1>, vector<16xf32>
      %mul3A_431 = arith.constant 16 : i32
      %mul3A_432 = arith.muli %scan3A_134, %mul3A_431 : i32
      %add3A_433 = arith.constant 4 : i32
      %add3A_434 = arith.addi %mul3A_432, %add3A_433 : i32
      %get3A_435 = arith.index_cast %add3A_434 : i32 to index
      %get3A_436 = arith.constant 0 : index
      %get3A_437 = tpu.vector_load %arg9[%get3A_435, %get3A_436] {strides = array<i32>} : memref<512x64xf32, #tpu.memory_space<vmem>>, vector<1x16xf32>,
      %get3A_438 = vector.shape_cast %get3A_437 : vector<1x16xf32> to vector<16xf32>
      %get3A_439 = arith.index_cast %add3A_434 : i32 to index
      %get3A_440 = arith.constant 0 : index
      %get3A_441 = tpu.vector_load %arg10[%get3A_439, %get3A_440] {strides = array<i32>} : memref<512x64xf32, #tpu.memory_space<vmem>>, vector<1x16xf32>,
      %get3A_442 = vector.shape_cast %get3A_441 : vector<1x16xf32> to vector<16xf32>
      %mul3A_443 = arith.mulf %get3A_438, %get3A_442 : vector<16xf32>
      %get3A_444 = arith.index_cast %add3A_434 : i32 to index
      %get3A_445 = arith.constant 16 : index
      %get3A_446 = tpu.vector_load %arg9[%get3A_444, %get3A_445] {strides = array<i32>} : memref<512x64xf32, #tpu.memory_space<vmem>>, vector<1x16xf32>,
      %get3A_447 = vector.shape_cast %get3A_446 : vector<1x16xf32> to vector<16xf32>
      %get3A_448 = arith.index_cast %add3A_434 : i32 to index
      %get3A_449 = arith.constant 16 : index
      %get3A_450 = tpu.vector_load %arg10[%get3A_448, %get3A_449] {strides = array<i32>} : memref<512x64xf32, #tpu.memory_space<vmem>>, vector<1x16xf32>,
      %get3A_451 = vector.shape_cast %get3A_450 : vector<1x16xf32> to vector<16xf32>
      %mul3A_452 = arith.mulf %get3A_447, %get3A_451 : vector<16xf32>
      %add3A_453 = arith.addf %mul3A_443, %mul3A_452 : vector<16xf32>
      %get3A_454 = arith.index_cast %add3A_434 : i32 to index
      %get3A_455 = arith.constant 32 : index
      %get3A_456 = tpu.vector_load %arg9[%get3A_454, %get3A_455] {strides = array<i32>} : memref<512x64xf32, #tpu.memory_space<vmem>>, vector<1x16xf32>,
      %get3A_457 = vector.shape_cast %get3A_456 : vector<1x16xf32> to vector<16xf32>
      %get3A_458 = arith.index_cast %add3A_434 : i32 to index
      %get3A_459 = arith.constant 32 : index
      %get3A_460 = tpu.vector_load %arg10[%get3A_458, %get3A_459] {strides = array<i32>} : memref<512x64xf32, #tpu.memory_space<vmem>>, vector<1x16xf32>,
      %get3A_461 = vector.shape_cast %get3A_460 : vector<1x16xf32> to vector<16xf32>
      %mul3A_462 = arith.mulf %get3A_457, %get3A_461 : vector<16xf32>
      %add3A_463 = arith.addf %add3A_453, %mul3A_462 : vector<16xf32>
      %get3A_464 = arith.index_cast %add3A_434 : i32 to index
      %get3A_465 = arith.constant 48 : index
      %get3A_466 = tpu.vector_load %arg9[%get3A_464, %get3A_465] {strides = array<i32>} : memref<512x64xf32, #tpu.memory_space<vmem>>, vector<1x16xf32>,
      %get3A_467 = vector.shape_cast %get3A_466 : vector<1x16xf32> to vector<16xf32>
      %get3A_468 = arith.index_cast %add3A_434 : i32 to index
      %get3A_469 = arith.constant 48 : index
      %get3A_470 = tpu.vector_load %arg10[%get3A_468, %get3A_469] {strides = array<i32>} : memref<512x64xf32, #tpu.memory_space<vmem>>, vector<1x16xf32>,
      %get3A_471 = vector.shape_cast %get3A_470 : vector<1x16xf32> to vector<16xf32>
      %mul3A_472 = arith.mulf %get3A_467, %get3A_471 : vector<16xf32>
      %add3A_473 = arith.addf %add3A_463, %mul3A_472 : vector<16xf32>
      %eq3A_474 = arith.constant 4 : i32
      %eq3A_475 = vector.broadcast %eq3A_474 : i32 to vector<16xi32>
      %eq3A_476 = arith.cmpi eq, %iota3A, %eq3A_475 : vector<16xi32>
      %xor3A_477 = arith.constant 1 : i32
      %xor3A_478 = vector.broadcast %xor3A_477 : i32 to vector<16xi32>
      %xor3A_479 = arith.xori %iota3A, %xor3A_478 : vector<16xi32>
      %broadcast_in_dim3A_480 = vector.shape_cast %xor3A_479 : vector<16xi32> to vector<16x1xi32>
      %gather3A_481 = vector.shape_cast %broadcast_in_dim3A_480 : vector<16x1xi32> to vector<16xi32>
      %gather3A_482 = tpu.dynamic_gather %add3A_473[%gather3A_481] in [0] : vector<16xf32>, vector<16xi32> -> vector<16xf32>
      %add3A_483 = arith.addf %add3A_473, %gather3A_482 : vector<16xf32>
      %xor3A_484 = arith.constant 2 : i32
      %xor3A_485 = vector.broadcast %xor3A_484 : i32 to vector<16xi32>
      %xor3A_486 = arith.xori %iota3A, %xor3A_485 : vector<16xi32>
      %broadcast_in_dim3A_487 = vector.shape_cast %xor3A_486 : vector<16xi32> to vector<16x1xi32>
      %gather3A_488 = vector.shape_cast %broadcast_in_dim3A_487 : vector<16x1xi32> to vector<16xi32>
      %gather3A_489 = tpu.dynamic_gather %add3A_483[%gather3A_488] in [0] : vector<16xf32>, vector<16xi32> -> vector<16xf32>
      %add3A_490 = arith.addf %add3A_483, %gather3A_489 : vector<16xf32>
      %xor3A_491 = arith.constant 4 : i32
      %xor3A_492 = vector.broadcast %xor3A_491 : i32 to vector<16xi32>
      %xor3A_493 = arith.xori %iota3A, %xor3A_492 : vector<16xi32>
      %broadcast_in_dim3A_494 = vector.shape_cast %xor3A_493 : vector<16xi32> to vector<16x1xi32>
      %gather3A_495 = vector.shape_cast %broadcast_in_dim3A_494 : vector<16x1xi32> to vector<16xi32>
      %gather3A_496 = tpu.dynamic_gather %add3A_490[%gather3A_495] in [0] : vector<16xf32>, vector<16xi32> -> vector<16xf32>
      %add3A_497 = arith.addf %add3A_490, %gather3A_496 : vector<16xf32>
      %xor3A_498 = arith.constant 8 : i32
      %xor3A_499 = vector.broadcast %xor3A_498 : i32 to vector<16xi32>
      %xor3A_500 = arith.xori %iota3A, %xor3A_499 : vector<16xi32>
      %broadcast_in_dim3A_501 = vector.shape_cast %xor3A_500 : vector<16xi32> to vector<16x1xi32>
      %gather3A_502 = vector.shape_cast %broadcast_in_dim3A_501 : vector<16x1xi32> to vector<16xi32>
      %gather3A_503 = tpu.dynamic_gather %add3A_497[%gather3A_502] in [0] : vector<16xf32>, vector<16xi32> -> vector<16xf32>
      %add3A_504 = arith.addf %add3A_497, %gather3A_503 : vector<16xf32>
      %select_n3A_505 = arith.select %eq3A_476, %add3A_504, %select_n3A_430 : vector<16xi1>, vector<16xf32>
      %mul3A_506 = arith.constant 16 : i32
      %mul3A_507 = arith.muli %scan3A_134, %mul3A_506 : i32
      %add3A_508 = arith.constant 5 : i32
      %add3A_509 = arith.addi %mul3A_507, %add3A_508 : i32
      %get3A_510 = arith.index_cast %add3A_509 : i32 to index
      %get3A_511 = arith.constant 0 : index
      %get3A_512 = tpu.vector_load %arg9[%get3A_510, %get3A_511] {strides = array<i32>} : memref<512x64xf32, #tpu.memory_space<vmem>>, vector<1x16xf32>,
      %get3A_513 = vector.shape_cast %get3A_512 : vector<1x16xf32> to vector<16xf32>
      %get3A_514 = arith.index_cast %add3A_509 : i32 to index
      %get3A_515 = arith.constant 0 : index
      %get3A_516 = tpu.vector_load %arg10[%get3A_514, %get3A_515] {strides = array<i32>} : memref<512x64xf32, #tpu.memory_space<vmem>>, vector<1x16xf32>,
      %get3A_517 = vector.shape_cast %get3A_516 : vector<1x16xf32> to vector<16xf32>
      %mul3A_518 = arith.mulf %get3A_513, %get3A_517 : vector<16xf32>
      %get3A_519 = arith.index_cast %add3A_509 : i32 to index
      %get3A_520 = arith.constant 16 : index
      %get3A_521 = tpu.vector_load %arg9[%get3A_519, %get3A_520] {strides = array<i32>} : memref<512x64xf32, #tpu.memory_space<vmem>>, vector<1x16xf32>,
      %get3A_522 = vector.shape_cast %get3A_521 : vector<1x16xf32> to vector<16xf32>
      %get3A_523 = arith.index_cast %add3A_509 : i32 to index
      %get3A_524 = arith.constant 16 : index
      %get3A_525 = tpu.vector_load %arg10[%get3A_523, %get3A_524] {strides = array<i32>} : memref<512x64xf32, #tpu.memory_space<vmem>>, vector<1x16xf32>,
      %get3A_526 = vector.shape_cast %get3A_525 : vector<1x16xf32> to vector<16xf32>
      %mul3A_527 = arith.mulf %get3A_522, %get3A_526 : vector<16xf32>
      %add3A_528 = arith.addf %mul3A_518, %mul3A_527 : vector<16xf32>
      %get3A_529 = arith.index_cast %add3A_509 : i32 to index
      %get3A_530 = arith.constant 32 : index
      %get3A_531 = tpu.vector_load %arg9[%get3A_529, %get3A_530] {strides = array<i32>} : memref<512x64xf32, #tpu.memory_space<vmem>>, vector<1x16xf32>,
      %get3A_532 = vector.shape_cast %get3A_531 : vector<1x16xf32> to vector<16xf32>
      %get3A_533 = arith.index_cast %add3A_509 : i32 to index
      %get3A_534 = arith.constant 32 : index
      %get3A_535 = tpu.vector_load %arg10[%get3A_533, %get3A_534] {strides = array<i32>} : memref<512x64xf32, #tpu.memory_space<vmem>>, vector<1x16xf32>,
      %get3A_536 = vector.shape_cast %get3A_535 : vector<1x16xf32> to vector<16xf32>
      %mul3A_537 = arith.mulf %get3A_532, %get3A_536 : vector<16xf32>
      %add3A_538 = arith.addf %add3A_528, %mul3A_537 : vector<16xf32>
      %get3A_539 = arith.index_cast %add3A_509 : i32 to index
      %get3A_540 = arith.constant 48 : index
      %get3A_541 = tpu.vector_load %arg9[%get3A_539, %get3A_540] {strides = array<i32>} : memref<512x64xf32, #tpu.memory_space<vmem>>, vector<1x16xf32>,
      %get3A_542 = vector.shape_cast %get3A_541 : vector<1x16xf32> to vector<16xf32>
      %get3A_543 = arith.index_cast %add3A_509 : i32 to index
      %get3A_544 = arith.constant 48 : index
      %get3A_545 = tpu.vector_load %arg10[%get3A_543, %get3A_544] {strides = array<i32>} : memref<512x64xf32, #tpu.memory_space<vmem>>, vector<1x16xf32>,
      %get3A_546 = vector.shape_cast %get3A_545 : vector<1x16xf32> to vector<16xf32>
      %mul3A_547 = arith.mulf %get3A_542, %get3A_546 : vector<16xf32>
      %add3A_548 = arith.addf %add3A_538, %mul3A_547 : vector<16xf32>
      %eq3A_549 = arith.constant 5 : i32
      %eq3A_550 = vector.broadcast %eq3A_549 : i32 to vector<16xi32>
      %eq3A_551 = arith.cmpi eq, %iota3A, %eq3A_550 : vector<16xi32>
      %xor3A_552 = arith.constant 1 : i32
      %xor3A_553 = vector.broadcast %xor3A_552 : i32 to vector<16xi32>
      %xor3A_554 = arith.xori %iota3A, %xor3A_553 : vector<16xi32>
      %broadcast_in_dim3A_555 = vector.shape_cast %xor3A_554 : vector<16xi32> to vector<16x1xi32>
      %gather3A_556 = vector.shape_cast %broadcast_in_dim3A_555 : vector<16x1xi32> to vector<16xi32>
      %gather3A_557 = tpu.dynamic_gather %add3A_548[%gather3A_556] in [0] : vector<16xf32>, vector<16xi32> -> vector<16xf32>
      %add3A_558 = arith.addf %add3A_548, %gather3A_557 : vector<16xf32>
      %xor3A_559 = arith.constant 2 : i32
      %xor3A_560 = vector.broadcast %xor3A_559 : i32 to vector<16xi32>
      %xor3A_561 = arith.xori %iota3A, %xor3A_560 : vector<16xi32>
      %broadcast_in_dim3A_562 = vector.shape_cast %xor3A_561 : vector<16xi32> to vector<16x1xi32>
      %gather3A_563 = vector.shape_cast %broadcast_in_dim3A_562 : vector<16x1xi32> to vector<16xi32>
      %gather3A_564 = tpu.dynamic_gather %add3A_558[%gather3A_563] in [0] : vector<16xf32>, vector<16xi32> -> vector<16xf32>
      %add3A_565 = arith.addf %add3A_558, %gather3A_564 : vector<16xf32>
      %xor3A_566 = arith.constant 4 : i32
      %xor3A_567 = vector.broadcast %xor3A_566 : i32 to vector<16xi32>
      %xor3A_568 = arith.xori %iota3A, %xor3A_567 : vector<16xi32>
      %broadcast_in_dim3A_569 = vector.shape_cast %xor3A_568 : vector<16xi32> to vector<16x1xi32>
      %gather3A_570 = vector.shape_cast %broadcast_in_dim3A_569 : vector<16x1xi32> to vector<16xi32>
      %gather3A_571 = tpu.dynamic_gather %add3A_565[%gather3A_570] in [0] : vector<16xf32>, vector<16xi32> -> vector<16xf32>
      %add3A_572 = arith.addf %add3A_565, %gather3A_571 : vector<16xf32>
      %xor3A_573 = arith.constant 8 : i32
      %xor3A_574 = vector.broadcast %xor3A_573 : i32 to vector<16xi32>
      %xor3A_575 = arith.xori %iota3A, %xor3A_574 : vector<16xi32>
      %broadcast_in_dim3A_576 = vector.shape_cast %xor3A_575 : vector<16xi32> to vector<16x1xi32>
      %gather3A_577 = vector.shape_cast %broadcast_in_dim3A_576 : vector<16x1xi32> to vector<16xi32>
      %gather3A_578 = tpu.dynamic_gather %add3A_572[%gather3A_577] in [0] : vector<16xf32>, vector<16xi32> -> vector<16xf32>
      %add3A_579 = arith.addf %add3A_572, %gather3A_578 : vector<16xf32>
      %select_n3A_580 = arith.select %eq3A_551, %add3A_579, %select_n3A_505 : vector<16xi1>, vector<16xf32>
      %mul3A_581 = arith.constant 16 : i32
      %mul3A_582 = arith.muli %scan3A_134, %mul3A_581 : i32
      %add3A_583 = arith.constant 6 : i32
      %add3A_584 = arith.addi %mul3A_582, %add3A_583 : i32
      %get3A_585 = arith.index_cast %add3A_584 : i32 to index
      %get3A_586 = arith.constant 0 : index
      %get3A_587 = tpu.vector_load %arg9[%get3A_585, %get3A_586] {strides = array<i32>} : memref<512x64xf32, #tpu.memory_space<vmem>>, vector<1x16xf32>,
      %get3A_588 = vector.shape_cast %get3A_587 : vector<1x16xf32> to vector<16xf32>
      %get3A_589 = arith.index_cast %add3A_584 : i32 to index
      %get3A_590 = arith.constant 0 : index
      %get3A_591 = tpu.vector_load %arg10[%get3A_589, %get3A_590] {strides = array<i32>} : memref<512x64xf32, #tpu.memory_space<vmem>>, vector<1x16xf32>,
      %get3A_592 = vector.shape_cast %get3A_591 : vector<1x16xf32> to vector<16xf32>
      %mul3A_593 = arith.mulf %get3A_588, %get3A_592 : vector<16xf32>
      %get3A_594 = arith.index_cast %add3A_584 : i32 to index
      %get3A_595 = arith.constant 16 : index
      %get3A_596 = tpu.vector_load %arg9[%get3A_594, %get3A_595] {strides = array<i32>} : memref<512x64xf32, #tpu.memory_space<vmem>>, vector<1x16xf32>,
      %get3A_597 = vector.shape_cast %get3A_596 : vector<1x16xf32> to vector<16xf32>
      %get3A_598 = arith.index_cast %add3A_584 : i32 to index
      %get3A_599 = arith.constant 16 : index
      %get3A_600 = tpu.vector_load %arg10[%get3A_598, %get3A_599] {strides = array<i32>} : memref<512x64xf32, #tpu.memory_space<vmem>>, vector<1x16xf32>,
      %get3A_601 = vector.shape_cast %get3A_600 : vector<1x16xf32> to vector<16xf32>
      %mul3A_602 = arith.mulf %get3A_597, %get3A_601 : vector<16xf32>
      %add3A_603 = arith.addf %mul3A_593, %mul3A_602 : vector<16xf32>
      %get3A_604 = arith.index_cast %add3A_584 : i32 to index
      %get3A_605 = arith.constant 32 : index
      %get3A_606 = tpu.vector_load %arg9[%get3A_604, %get3A_605] {strides = array<i32>} : memref<512x64xf32, #tpu.memory_space<vmem>>, vector<1x16xf32>,
      %get3A_607 = vector.shape_cast %get3A_606 : vector<1x16xf32> to vector<16xf32>
      %get3A_608 = arith.index_cast %add3A_584 : i32 to index
      %get3A_609 = arith.constant 32 : index
      %get3A_610 = tpu.vector_load %arg10[%get3A_608, %get3A_609] {strides = array<i32>} : memref<512x64xf32, #tpu.memory_space<vmem>>, vector<1x16xf32>,
      %get3A_611 = vector.shape_cast %get3A_610 : vector<1x16xf32> to vector<16xf32>
      %mul3A_612 = arith.mulf %get3A_607, %get3A_611 : vector<16xf32>
      %add3A_613 = arith.addf %add3A_603, %mul3A_612 : vector<16xf32>
      %get3A_614 = arith.index_cast %add3A_584 : i32 to index
      %get3A_615 = arith.constant 48 : index
      %get3A_616 = tpu.vector_load %arg9[%get3A_614, %get3A_615] {strides = array<i32>} : memref<512x64xf32, #tpu.memory_space<vmem>>, vector<1x16xf32>,
      %get3A_617 = vector.shape_cast %get3A_616 : vector<1x16xf32> to vector<16xf32>
      %get3A_618 = arith.index_cast %add3A_584 : i32 to index
      %get3A_619 = arith.constant 48 : index
      %get3A_620 = tpu.vector_load %arg10[%get3A_618, %get3A_619] {strides = array<i32>} : memref<512x64xf32, #tpu.memory_space<vmem>>, vector<1x16xf32>,
      %get3A_621 = vector.shape_cast %get3A_620 : vector<1x16xf32> to vector<16xf32>
      %mul3A_622 = arith.mulf %get3A_617, %get3A_621 : vector<16xf32>
      %add3A_623 = arith.addf %add3A_613, %mul3A_622 : vector<16xf32>
      %eq3A_624 = arith.constant 6 : i32
      %eq3A_625 = vector.broadcast %eq3A_624 : i32 to vector<16xi32>
      %eq3A_626 = arith.cmpi eq, %iota3A, %eq3A_625 : vector<16xi32>
      %xor3A_627 = arith.constant 1 : i32
      %xor3A_628 = vector.broadcast %xor3A_627 : i32 to vector<16xi32>
      %xor3A_629 = arith.xori %iota3A, %xor3A_628 : vector<16xi32>
      %broadcast_in_dim3A_630 = vector.shape_cast %xor3A_629 : vector<16xi32> to vector<16x1xi32>
      %gather3A_631 = vector.shape_cast %broadcast_in_dim3A_630 : vector<16x1xi32> to vector<16xi32>
      %gather3A_632 = tpu.dynamic_gather %add3A_623[%gather3A_631] in [0] : vector<16xf32>, vector<16xi32> -> vector<16xf32>
      %add3A_633 = arith.addf %add3A_623, %gather3A_632 : vector<16xf32>
      %xor3A_634 = arith.constant 2 : i32
      %xor3A_635 = vector.broadcast %xor3A_634 : i32 to vector<16xi32>
      %xor3A_636 = arith.xori %iota3A, %xor3A_635 : vector<16xi32>
      %broadcast_in_dim3A_637 = vector.shape_cast %xor3A_636 : vector<16xi32> to vector<16x1xi32>
      %gather3A_638 = vector.shape_cast %broadcast_in_dim3A_637 : vector<16x1xi32> to vector<16xi32>
      %gather3A_639 = tpu.dynamic_gather %add3A_633[%gather3A_638] in [0] : vector<16xf32>, vector<16xi32> -> vector<16xf32>
      %add3A_640 = arith.addf %add3A_633, %gather3A_639 : vector<16xf32>
      %xor3A_641 = arith.constant 4 : i32
      %xor3A_642 = vector.broadcast %xor3A_641 : i32 to vector<16xi32>
      %xor3A_643 = arith.xori %iota3A, %xor3A_642 : vector<16xi32>
      %broadcast_in_dim3A_644 = vector.shape_cast %xor3A_643 : vector<16xi32> to vector<16x1xi32>
      %gather3A_645 = vector.shape_cast %broadcast_in_dim3A_644 : vector<16x1xi32> to vector<16xi32>
      %gather3A_646 = tpu.dynamic_gather %add3A_640[%gather3A_645] in [0] : vector<16xf32>, vector<16xi32> -> vector<16xf32>
      %add3A_647 = arith.addf %add3A_640, %gather3A_646 : vector<16xf32>
      %xor3A_648 = arith.constant 8 : i32
      %xor3A_649 = vector.broadcast %xor3A_648 : i32 to vector<16xi32>
      %xor3A_650 = arith.xori %iota3A, %xor3A_649 : vector<16xi32>
      %broadcast_in_dim3A_651 = vector.shape_cast %xor3A_650 : vector<16xi32> to vector<16x1xi32>
      %gather3A_652 = vector.shape_cast %broadcast_in_dim3A_651 : vector<16x1xi32> to vector<16xi32>
      %gather3A_653 = tpu.dynamic_gather %add3A_647[%gather3A_652] in [0] : vector<16xf32>, vector<16xi32> -> vector<16xf32>
      %add3A_654 = arith.addf %add3A_647, %gather3A_653 : vector<16xf32>
      %select_n3A_655 = arith.select %eq3A_626, %add3A_654, %select_n3A_580 : vector<16xi1>, vector<16xf32>
      %mul3A_656 = arith.constant 16 : i32
      %mul3A_657 = arith.muli %scan3A_134, %mul3A_656 : i32
      %add3A_658 = arith.constant 7 : i32
      %add3A_659 = arith.addi %mul3A_657, %add3A_658 : i32
      %get3A_660 = arith.index_cast %add3A_659 : i32 to index
      %get3A_661 = arith.constant 0 : index
      %get3A_662 = tpu.vector_load %arg9[%get3A_660, %get3A_661] {strides = array<i32>} : memref<512x64xf32, #tpu.memory_space<vmem>>, vector<1x16xf32>,
      %get3A_663 = vector.shape_cast %get3A_662 : vector<1x16xf32> to vector<16xf32>
      %get3A_664 = arith.index_cast %add3A_659 : i32 to index
      %get3A_665 = arith.constant 0 : index
      %get3A_666 = tpu.vector_load %arg10[%get3A_664, %get3A_665] {strides = array<i32>} : memref<512x64xf32, #tpu.memory_space<vmem>>, vector<1x16xf32>,
      %get3A_667 = vector.shape_cast %get3A_666 : vector<1x16xf32> to vector<16xf32>
      %mul3A_668 = arith.mulf %get3A_663, %get3A_667 : vector<16xf32>
      %get3A_669 = arith.index_cast %add3A_659 : i32 to index
      %get3A_670 = arith.constant 16 : index
      %get3A_671 = tpu.vector_load %arg9[%get3A_669, %get3A_670] {strides = array<i32>} : memref<512x64xf32, #tpu.memory_space<vmem>>, vector<1x16xf32>,
      %get3A_672 = vector.shape_cast %get3A_671 : vector<1x16xf32> to vector<16xf32>
      %get3A_673 = arith.index_cast %add3A_659 : i32 to index
      %get3A_674 = arith.constant 16 : index
      %get3A_675 = tpu.vector_load %arg10[%get3A_673, %get3A_674] {strides = array<i32>} : memref<512x64xf32, #tpu.memory_space<vmem>>, vector<1x16xf32>,
      %get3A_676 = vector.shape_cast %get3A_675 : vector<1x16xf32> to vector<16xf32>
      %mul3A_677 = arith.mulf %get3A_672, %get3A_676 : vector<16xf32>
      %add3A_678 = arith.addf %mul3A_668, %mul3A_677 : vector<16xf32>
      %get3A_679 = arith.index_cast %add3A_659 : i32 to index
      %get3A_680 = arith.constant 32 : index
      %get3A_681 = tpu.vector_load %arg9[%get3A_679, %get3A_680] {strides = array<i32>} : memref<512x64xf32, #tpu.memory_space<vmem>>, vector<1x16xf32>,
      %get3A_682 = vector.shape_cast %get3A_681 : vector<1x16xf32> to vector<16xf32>
      %get3A_683 = arith.index_cast %add3A_659 : i32 to index
      %get3A_684 = arith.constant 32 : index
      %get3A_685 = tpu.vector_load %arg10[%get3A_683, %get3A_684] {strides = array<i32>} : memref<512x64xf32, #tpu.memory_space<vmem>>, vector<1x16xf32>,
      %get3A_686 = vector.shape_cast %get3A_685 : vector<1x16xf32> to vector<16xf32>
      %mul3A_687 = arith.mulf %get3A_682, %get3A_686 : vector<16xf32>
      %add3A_688 = arith.addf %add3A_678, %mul3A_687 : vector<16xf32>
      %get3A_689 = arith.index_cast %add3A_659 : i32 to index
      %get3A_690 = arith.constant 48 : index
      %get3A_691 = tpu.vector_load %arg9[%get3A_689, %get3A_690] {strides = array<i32>} : memref<512x64xf32, #tpu.memory_space<vmem>>, vector<1x16xf32>,
      %get3A_692 = vector.shape_cast %get3A_691 : vector<1x16xf32> to vector<16xf32>
      %get3A_693 = arith.index_cast %add3A_659 : i32 to index
      %get3A_694 = arith.constant 48 : index
      %get3A_695 = tpu.vector_load %arg10[%get3A_693, %get3A_694] {strides = array<i32>} : memref<512x64xf32, #tpu.memory_space<vmem>>, vector<1x16xf32>,
      %get3A_696 = vector.shape_cast %get3A_695 : vector<1x16xf32> to vector<16xf32>
      %mul3A_697 = arith.mulf %get3A_692, %get3A_696 : vector<16xf32>
      %add3A_698 = arith.addf %add3A_688, %mul3A_697 : vector<16xf32>
      %eq3A_699 = arith.constant 7 : i32
      %eq3A_700 = vector.broadcast %eq3A_699 : i32 to vector<16xi32>
      %eq3A_701 = arith.cmpi eq, %iota3A, %eq3A_700 : vector<16xi32>
      %xor3A_702 = arith.constant 1 : i32
      %xor3A_703 = vector.broadcast %xor3A_702 : i32 to vector<16xi32>
      %xor3A_704 = arith.xori %iota3A, %xor3A_703 : vector<16xi32>
      %broadcast_in_dim3A_705 = vector.shape_cast %xor3A_704 : vector<16xi32> to vector<16x1xi32>
      %gather3A_706 = vector.shape_cast %broadcast_in_dim3A_705 : vector<16x1xi32> to vector<16xi32>
      %gather3A_707 = tpu.dynamic_gather %add3A_698[%gather3A_706] in [0] : vector<16xf32>, vector<16xi32> -> vector<16xf32>
      %add3A_708 = arith.addf %add3A_698, %gather3A_707 : vector<16xf32>
      %xor3A_709 = arith.constant 2 : i32
      %xor3A_710 = vector.broadcast %xor3A_709 : i32 to vector<16xi32>
      %xor3A_711 = arith.xori %iota3A, %xor3A_710 : vector<16xi32>
      %broadcast_in_dim3A_712 = vector.shape_cast %xor3A_711 : vector<16xi32> to vector<16x1xi32>
      %gather3A_713 = vector.shape_cast %broadcast_in_dim3A_712 : vector<16x1xi32> to vector<16xi32>
      %gather3A_714 = tpu.dynamic_gather %add3A_708[%gather3A_713] in [0] : vector<16xf32>, vector<16xi32> -> vector<16xf32>
      %add3A_715 = arith.addf %add3A_708, %gather3A_714 : vector<16xf32>
      %xor3A_716 = arith.constant 4 : i32
      %xor3A_717 = vector.broadcast %xor3A_716 : i32 to vector<16xi32>
      %xor3A_718 = arith.xori %iota3A, %xor3A_717 : vector<16xi32>
      %broadcast_in_dim3A_719 = vector.shape_cast %xor3A_718 : vector<16xi32> to vector<16x1xi32>
      %gather3A_720 = vector.shape_cast %broadcast_in_dim3A_719 : vector<16x1xi32> to vector<16xi32>
      %gather3A_721 = tpu.dynamic_gather %add3A_715[%gather3A_720] in [0] : vector<16xf32>, vector<16xi32> -> vector<16xf32>
      %add3A_722 = arith.addf %add3A_715, %gather3A_721 : vector<16xf32>
      %xor3A_723 = arith.constant 8 : i32
      %xor3A_724 = vector.broadcast %xor3A_723 : i32 to vector<16xi32>
      %xor3A_725 = arith.xori %iota3A, %xor3A_724 : vector<16xi32>
      %broadcast_in_dim3A_726 = vector.shape_cast %xor3A_725 : vector<16xi32> to vector<16x1xi32>
      %gather3A_727 = vector.shape_cast %broadcast_in_dim3A_726 : vector<16x1xi32> to vector<16xi32>
      %gather3A_728 = tpu.dynamic_gather %add3A_722[%gather3A_727] in [0] : vector<16xf32>, vector<16xi32> -> vector<16xf32>
      %add3A_729 = arith.addf %add3A_722, %gather3A_728 : vector<16xf32>
      %select_n3A_730 = arith.select %eq3A_701, %add3A_729, %select_n3A_655 : vector<16xi1>, vector<16xf32>
      %mul3A_731 = arith.constant 16 : i32
      %mul3A_732 = arith.muli %scan3A_134, %mul3A_731 : i32
      %add3A_733 = arith.constant 8 : i32
      %add3A_734 = arith.addi %mul3A_732, %add3A_733 : i32
      %get3A_735 = arith.index_cast %add3A_734 : i32 to index
      %get3A_736 = arith.constant 0 : index
      %get3A_737 = tpu.vector_load %arg9[%get3A_735, %get3A_736] {strides = array<i32>} : memref<512x64xf32, #tpu.memory_space<vmem>>, vector<1x16xf32>,
      %get3A_738 = vector.shape_cast %get3A_737 : vector<1x16xf32> to vector<16xf32>
      %get3A_739 = arith.index_cast %add3A_734 : i32 to index
      %get3A_740 = arith.constant 0 : index
      %get3A_741 = tpu.vector_load %arg10[%get3A_739, %get3A_740] {strides = array<i32>} : memref<512x64xf32, #tpu.memory_space<vmem>>, vector<1x16xf32>,
      %get3A_742 = vector.shape_cast %get3A_741 : vector<1x16xf32> to vector<16xf32>
      %mul3A_743 = arith.mulf %get3A_738, %get3A_742 : vector<16xf32>
      %get3A_744 = arith.index_cast %add3A_734 : i32 to index
      %get3A_745 = arith.constant 16 : index
      %get3A_746 = tpu.vector_load %arg9[%get3A_744, %get3A_745] {strides = array<i32>} : memref<512x64xf32, #tpu.memory_space<vmem>>, vector<1x16xf32>,
      %get3A_747 = vector.shape_cast %get3A_746 : vector<1x16xf32> to vector<16xf32>
      %get3A_748 = arith.index_cast %add3A_734 : i32 to index
      %get3A_749 = arith.constant 16 : index
      %get3A_750 = tpu.vector_load %arg10[%get3A_748, %get3A_749] {strides = array<i32>} : memref<512x64xf32, #tpu.memory_space<vmem>>, vector<1x16xf32>,
      %get3A_751 = vector.shape_cast %get3A_750 : vector<1x16xf32> to vector<16xf32>
      %mul3A_752 = arith.mulf %get3A_747, %get3A_751 : vector<16xf32>
      %add3A_753 = arith.addf %mul3A_743, %mul3A_752 : vector<16xf32>
      %get3A_754 = arith.index_cast %add3A_734 : i32 to index
      %get3A_755 = arith.constant 32 : index
      %get3A_756 = tpu.vector_load %arg9[%get3A_754, %get3A_755] {strides = array<i32>} : memref<512x64xf32, #tpu.memory_space<vmem>>, vector<1x16xf32>,
      %get3A_757 = vector.shape_cast %get3A_756 : vector<1x16xf32> to vector<16xf32>
      %get3A_758 = arith.index_cast %add3A_734 : i32 to index
      %get3A_759 = arith.constant 32 : index
      %get3A_760 = tpu.vector_load %arg10[%get3A_758, %get3A_759] {strides = array<i32>} : memref<512x64xf32, #tpu.memory_space<vmem>>, vector<1x16xf32>,
      %get3A_761 = vector.shape_cast %get3A_760 : vector<1x16xf32> to vector<16xf32>
      %mul3A_762 = arith.mulf %get3A_757, %get3A_761 : vector<16xf32>
      %add3A_763 = arith.addf %add3A_753, %mul3A_762 : vector<16xf32>
      %get3A_764 = arith.index_cast %add3A_734 : i32 to index
      %get3A_765 = arith.constant 48 : index
      %get3A_766 = tpu.vector_load %arg9[%get3A_764, %get3A_765] {strides = array<i32>} : memref<512x64xf32, #tpu.memory_space<vmem>>, vector<1x16xf32>,
      %get3A_767 = vector.shape_cast %get3A_766 : vector<1x16xf32> to vector<16xf32>
      %get3A_768 = arith.index_cast %add3A_734 : i32 to index
      %get3A_769 = arith.constant 48 : index
      %get3A_770 = tpu.vector_load %arg10[%get3A_768, %get3A_769] {strides = array<i32>} : memref<512x64xf32, #tpu.memory_space<vmem>>, vector<1x16xf32>,
      %get3A_771 = vector.shape_cast %get3A_770 : vector<1x16xf32> to vector<16xf32>
      %mul3A_772 = arith.mulf %get3A_767, %get3A_771 : vector<16xf32>
      %add3A_773 = arith.addf %add3A_763, %mul3A_772 : vector<16xf32>
      %eq3A_774 = arith.constant 8 : i32
      %eq3A_775 = vector.broadcast %eq3A_774 : i32 to vector<16xi32>
      %eq3A_776 = arith.cmpi eq, %iota3A, %eq3A_775 : vector<16xi32>
      %xor3A_777 = arith.constant 1 : i32
      %xor3A_778 = vector.broadcast %xor3A_777 : i32 to vector<16xi32>
      %xor3A_779 = arith.xori %iota3A, %xor3A_778 : vector<16xi32>
      %broadcast_in_dim3A_780 = vector.shape_cast %xor3A_779 : vector<16xi32> to vector<16x1xi32>
      %gather3A_781 = vector.shape_cast %broadcast_in_dim3A_780 : vector<16x1xi32> to vector<16xi32>
      %gather3A_782 = tpu.dynamic_gather %add3A_773[%gather3A_781] in [0] : vector<16xf32>, vector<16xi32> -> vector<16xf32>
      %add3A_783 = arith.addf %add3A_773, %gather3A_782 : vector<16xf32>
      %xor3A_784 = arith.constant 2 : i32
      %xor3A_785 = vector.broadcast %xor3A_784 : i32 to vector<16xi32>
      %xor3A_786 = arith.xori %iota3A, %xor3A_785 : vector<16xi32>
      %broadcast_in_dim3A_787 = vector.shape_cast %xor3A_786 : vector<16xi32> to vector<16x1xi32>
      %gather3A_788 = vector.shape_cast %broadcast_in_dim3A_787 : vector<16x1xi32> to vector<16xi32>
      %gather3A_789 = tpu.dynamic_gather %add3A_783[%gather3A_788] in [0] : vector<16xf32>, vector<16xi32> -> vector<16xf32>
      %add3A_790 = arith.addf %add3A_783, %gather3A_789 : vector<16xf32>
      %xor3A_791 = arith.constant 4 : i32
      %xor3A_792 = vector.broadcast %xor3A_791 : i32 to vector<16xi32>
      %xor3A_793 = arith.xori %iota3A, %xor3A_792 : vector<16xi32>
      %broadcast_in_dim3A_794 = vector.shape_cast %xor3A_793 : vector<16xi32> to vector<16x1xi32>
      %gather3A_795 = vector.shape_cast %broadcast_in_dim3A_794 : vector<16x1xi32> to vector<16xi32>
      %gather3A_796 = tpu.dynamic_gather %add3A_790[%gather3A_795] in [0] : vector<16xf32>, vector<16xi32> -> vector<16xf32>
      %add3A_797 = arith.addf %add3A_790, %gather3A_796 : vector<16xf32>
      %xor3A_798 = arith.constant 8 : i32
      %xor3A_799 = vector.broadcast %xor3A_798 : i32 to vector<16xi32>
      %xor3A_800 = arith.xori %iota3A, %xor3A_799 : vector<16xi32>
      %broadcast_in_dim3A_801 = vector.shape_cast %xor3A_800 : vector<16xi32> to vector<16x1xi32>
      %gather3A_802 = vector.shape_cast %broadcast_in_dim3A_801 : vector<16x1xi32> to vector<16xi32>
      %gather3A_803 = tpu.dynamic_gather %add3A_797[%gather3A_802] in [0] : vector<16xf32>, vector<16xi32> -> vector<16xf32>
      %add3A_804 = arith.addf %add3A_797, %gather3A_803 : vector<16xf32>
      %select_n3A_805 = arith.select %eq3A_776, %add3A_804, %select_n3A_730 : vector<16xi1>, vector<16xf32>
      %mul3A_806 = arith.constant 16 : i32
      %mul3A_807 = arith.muli %scan3A_134, %mul3A_806 : i32
      %add3A_808 = arith.constant 9 : i32
      %add3A_809 = arith.addi %mul3A_807, %add3A_808 : i32
      %get3A_810 = arith.index_cast %add3A_809 : i32 to index
      %get3A_811 = arith.constant 0 : index
      %get3A_812 = tpu.vector_load %arg9[%get3A_810, %get3A_811] {strides = array<i32>} : memref<512x64xf32, #tpu.memory_space<vmem>>, vector<1x16xf32>,
      %get3A_813 = vector.shape_cast %get3A_812 : vector<1x16xf32> to vector<16xf32>
      %get3A_814 = arith.index_cast %add3A_809 : i32 to index
      %get3A_815 = arith.constant 0 : index
      %get3A_816 = tpu.vector_load %arg10[%get3A_814, %get3A_815] {strides = array<i32>} : memref<512x64xf32, #tpu.memory_space<vmem>>, vector<1x16xf32>,
      %get3A_817 = vector.shape_cast %get3A_816 : vector<1x16xf32> to vector<16xf32>
      %mul3A_818 = arith.mulf %get3A_813, %get3A_817 : vector<16xf32>
      %get3A_819 = arith.index_cast %add3A_809 : i32 to index
      %get3A_820 = arith.constant 16 : index
      %get3A_821 = tpu.vector_load %arg9[%get3A_819, %get3A_820] {strides = array<i32>} : memref<512x64xf32, #tpu.memory_space<vmem>>, vector<1x16xf32>,
      %get3A_822 = vector.shape_cast %get3A_821 : vector<1x16xf32> to vector<16xf32>
      %get3A_823 = arith.index_cast %add3A_809 : i32 to index
      %get3A_824 = arith.constant 16 : index
      %get3A_825 = tpu.vector_load %arg10[%get3A_823, %get3A_824] {strides = array<i32>} : memref<512x64xf32, #tpu.memory_space<vmem>>, vector<1x16xf32>,
      %get3A_826 = vector.shape_cast %get3A_825 : vector<1x16xf32> to vector<16xf32>
      %mul3A_827 = arith.mulf %get3A_822, %get3A_826 : vector<16xf32>
      %add3A_828 = arith.addf %mul3A_818, %mul3A_827 : vector<16xf32>
      %get3A_829 = arith.index_cast %add3A_809 : i32 to index
      %get3A_830 = arith.constant 32 : index
      %get3A_831 = tpu.vector_load %arg9[%get3A_829, %get3A_830] {strides = array<i32>} : memref<512x64xf32, #tpu.memory_space<vmem>>, vector<1x16xf32>,
      %get3A_832 = vector.shape_cast %get3A_831 : vector<1x16xf32> to vector<16xf32>
      %get3A_833 = arith.index_cast %add3A_809 : i32 to index
      %get3A_834 = arith.constant 32 : index
      %get3A_835 = tpu.vector_load %arg10[%get3A_833, %get3A_834] {strides = array<i32>} : memref<512x64xf32, #tpu.memory_space<vmem>>, vector<1x16xf32>,
      %get3A_836 = vector.shape_cast %get3A_835 : vector<1x16xf32> to vector<16xf32>
      %mul3A_837 = arith.mulf %get3A_832, %get3A_836 : vector<16xf32>
      %add3A_838 = arith.addf %add3A_828, %mul3A_837 : vector<16xf32>
      %get3A_839 = arith.index_cast %add3A_809 : i32 to index
      %get3A_840 = arith.constant 48 : index
      %get3A_841 = tpu.vector_load %arg9[%get3A_839, %get3A_840] {strides = array<i32>} : memref<512x64xf32, #tpu.memory_space<vmem>>, vector<1x16xf32>,
      %get3A_842 = vector.shape_cast %get3A_841 : vector<1x16xf32> to vector<16xf32>
      %get3A_843 = arith.index_cast %add3A_809 : i32 to index
      %get3A_844 = arith.constant 48 : index
      %get3A_845 = tpu.vector_load %arg10[%get3A_843, %get3A_844] {strides = array<i32>} : memref<512x64xf32, #tpu.memory_space<vmem>>, vector<1x16xf32>,
      %get3A_846 = vector.shape_cast %get3A_845 : vector<1x16xf32> to vector<16xf32>
      %mul3A_847 = arith.mulf %get3A_842, %get3A_846 : vector<16xf32>
      %add3A_848 = arith.addf %add3A_838, %mul3A_847 : vector<16xf32>
      %eq3A_849 = arith.constant 9 : i32
      %eq3A_850 = vector.broadcast %eq3A_849 : i32 to vector<16xi32>
      %eq3A_851 = arith.cmpi eq, %iota3A, %eq3A_850 : vector<16xi32>
      %xor3A_852 = arith.constant 1 : i32
      %xor3A_853 = vector.broadcast %xor3A_852 : i32 to vector<16xi32>
      %xor3A_854 = arith.xori %iota3A, %xor3A_853 : vector<16xi32>
      %broadcast_in_dim3A_855 = vector.shape_cast %xor3A_854 : vector<16xi32> to vector<16x1xi32>
      %gather3A_856 = vector.shape_cast %broadcast_in_dim3A_855 : vector<16x1xi32> to vector<16xi32>
      %gather3A_857 = tpu.dynamic_gather %add3A_848[%gather3A_856] in [0] : vector<16xf32>, vector<16xi32> -> vector<16xf32>
      %add3A_858 = arith.addf %add3A_848, %gather3A_857 : vector<16xf32>
      %xor3A_859 = arith.constant 2 : i32
      %xor3A_860 = vector.broadcast %xor3A_859 : i32 to vector<16xi32>
      %xor3A_861 = arith.xori %iota3A, %xor3A_860 : vector<16xi32>
      %broadcast_in_dim3A_862 = vector.shape_cast %xor3A_861 : vector<16xi32> to vector<16x1xi32>
      %gather3A_863 = vector.shape_cast %broadcast_in_dim3A_862 : vector<16x1xi32> to vector<16xi32>
      %gather3A_864 = tpu.dynamic_gather %add3A_858[%gather3A_863] in [0] : vector<16xf32>, vector<16xi32> -> vector<16xf32>
      %add3A_865 = arith.addf %add3A_858, %gather3A_864 : vector<16xf32>
      %xor3A_866 = arith.constant 4 : i32
      %xor3A_867 = vector.broadcast %xor3A_866 : i32 to vector<16xi32>
      %xor3A_868 = arith.xori %iota3A, %xor3A_867 : vector<16xi32>
      %broadcast_in_dim3A_869 = vector.shape_cast %xor3A_868 : vector<16xi32> to vector<16x1xi32>
      %gather3A_870 = vector.shape_cast %broadcast_in_dim3A_869 : vector<16x1xi32> to vector<16xi32>
      %gather3A_871 = tpu.dynamic_gather %add3A_865[%gather3A_870] in [0] : vector<16xf32>, vector<16xi32> -> vector<16xf32>
      %add3A_872 = arith.addf %add3A_865, %gather3A_871 : vector<16xf32>
      %xor3A_873 = arith.constant 8 : i32
      %xor3A_874 = vector.broadcast %xor3A_873 : i32 to vector<16xi32>
      %xor3A_875 = arith.xori %iota3A, %xor3A_874 : vector<16xi32>
      %broadcast_in_dim3A_876 = vector.shape_cast %xor3A_875 : vector<16xi32> to vector<16x1xi32>
      %gather3A_877 = vector.shape_cast %broadcast_in_dim3A_876 : vector<16x1xi32> to vector<16xi32>
      %gather3A_878 = tpu.dynamic_gather %add3A_872[%gather3A_877] in [0] : vector<16xf32>, vector<16xi32> -> vector<16xf32>
      %add3A_879 = arith.addf %add3A_872, %gather3A_878 : vector<16xf32>
      %select_n3A_880 = arith.select %eq3A_851, %add3A_879, %select_n3A_805 : vector<16xi1>, vector<16xf32>
      %mul3A_881 = arith.constant 16 : i32
      %mul3A_882 = arith.muli %scan3A_134, %mul3A_881 : i32
      %add3A_883 = arith.constant 10 : i32
      %add3A_884 = arith.addi %mul3A_882, %add3A_883 : i32
      %get3A_885 = arith.index_cast %add3A_884 : i32 to index
      %get3A_886 = arith.constant 0 : index
      %get3A_887 = tpu.vector_load %arg9[%get3A_885, %get3A_886] {strides = array<i32>} : memref<512x64xf32, #tpu.memory_space<vmem>>, vector<1x16xf32>,
      %get3A_888 = vector.shape_cast %get3A_887 : vector<1x16xf32> to vector<16xf32>
      %get3A_889 = arith.index_cast %add3A_884 : i32 to index
      %get3A_890 = arith.constant 0 : index
      %get3A_891 = tpu.vector_load %arg10[%get3A_889, %get3A_890] {strides = array<i32>} : memref<512x64xf32, #tpu.memory_space<vmem>>, vector<1x16xf32>,
      %get3A_892 = vector.shape_cast %get3A_891 : vector<1x16xf32> to vector<16xf32>
      %mul3A_893 = arith.mulf %get3A_888, %get3A_892 : vector<16xf32>
      %get3A_894 = arith.index_cast %add3A_884 : i32 to index
      %get3A_895 = arith.constant 16 : index
      %get3A_896 = tpu.vector_load %arg9[%get3A_894, %get3A_895] {strides = array<i32>} : memref<512x64xf32, #tpu.memory_space<vmem>>, vector<1x16xf32>,
      %get3A_897 = vector.shape_cast %get3A_896 : vector<1x16xf32> to vector<16xf32>
      %get3A_898 = arith.index_cast %add3A_884 : i32 to index
      %get3A_899 = arith.constant 16 : index
      %get3A_900 = tpu.vector_load %arg10[%get3A_898, %get3A_899] {strides = array<i32>} : memref<512x64xf32, #tpu.memory_space<vmem>>, vector<1x16xf32>,
      %get3A_901 = vector.shape_cast %get3A_900 : vector<1x16xf32> to vector<16xf32>
      %mul3A_902 = arith.mulf %get3A_897, %get3A_901 : vector<16xf32>
      %add3A_903 = arith.addf %mul3A_893, %mul3A_902 : vector<16xf32>
      %get3A_904 = arith.index_cast %add3A_884 : i32 to index
      %get3A_905 = arith.constant 32 : index
      %get3A_906 = tpu.vector_load %arg9[%get3A_904, %get3A_905] {strides = array<i32>} : memref<512x64xf32, #tpu.memory_space<vmem>>, vector<1x16xf32>,
      %get3A_907 = vector.shape_cast %get3A_906 : vector<1x16xf32> to vector<16xf32>
      %get3A_908 = arith.index_cast %add3A_884 : i32 to index
      %get3A_909 = arith.constant 32 : index
      %get3A_910 = tpu.vector_load %arg10[%get3A_908, %get3A_909] {strides = array<i32>} : memref<512x64xf32, #tpu.memory_space<vmem>>, vector<1x16xf32>,
      %get3A_911 = vector.shape_cast %get3A_910 : vector<1x16xf32> to vector<16xf32>
      %mul3A_912 = arith.mulf %get3A_907, %get3A_911 : vector<16xf32>
      %add3A_913 = arith.addf %add3A_903, %mul3A_912 : vector<16xf32>
      %get3A_914 = arith.index_cast %add3A_884 : i32 to index
      %get3A_915 = arith.constant 48 : index
      %get3A_916 = tpu.vector_load %arg9[%get3A_914, %get3A_915] {strides = array<i32>} : memref<512x64xf32, #tpu.memory_space<vmem>>, vector<1x16xf32>,
      %get3A_917 = vector.shape_cast %get3A_916 : vector<1x16xf32> to vector<16xf32>
      %get3A_918 = arith.index_cast %add3A_884 : i32 to index
      %get3A_919 = arith.constant 48 : index
      %get3A_920 = tpu.vector_load %arg10[%get3A_918, %get3A_919] {strides = array<i32>} : memref<512x64xf32, #tpu.memory_space<vmem>>, vector<1x16xf32>,
      %get3A_921 = vector.shape_cast %get3A_920 : vector<1x16xf32> to vector<16xf32>
      %mul3A_922 = arith.mulf %get3A_917, %get3A_921 : vector<16xf32>
      %add3A_923 = arith.addf %add3A_913, %mul3A_922 : vector<16xf32>
      %eq3A_924 = arith.constant 10 : i32
      %eq3A_925 = vector.broadcast %eq3A_924 : i32 to vector<16xi32>
      %eq3A_926 = arith.cmpi eq, %iota3A, %eq3A_925 : vector<16xi32>
      %xor3A_927 = arith.constant 1 : i32
      %xor3A_928 = vector.broadcast %xor3A_927 : i32 to vector<16xi32>
      %xor3A_929 = arith.xori %iota3A, %xor3A_928 : vector<16xi32>
      %broadcast_in_dim3A_930 = vector.shape_cast %xor3A_929 : vector<16xi32> to vector<16x1xi32>
      %gather3A_931 = vector.shape_cast %broadcast_in_dim3A_930 : vector<16x1xi32> to vector<16xi32>
      %gather3A_932 = tpu.dynamic_gather %add3A_923[%gather3A_931] in [0] : vector<16xf32>, vector<16xi32> -> vector<16xf32>
      %add3A_933 = arith.addf %add3A_923, %gather3A_932 : vector<16xf32>
      %xor3A_934 = arith.constant 2 : i32
      %xor3A_935 = vector.broadcast %xor3A_934 : i32 to vector<16xi32>
      %xor3A_936 = arith.xori %iota3A, %xor3A_935 : vector<16xi32>
      %broadcast_in_dim3A_937 = vector.shape_cast %xor3A_936 : vector<16xi32> to vector<16x1xi32>
      %gather3A_938 = vector.shape_cast %broadcast_in_dim3A_937 : vector<16x1xi32> to vector<16xi32>
      %gather3A_939 = tpu.dynamic_gather %add3A_933[%gather3A_938] in [0] : vector<16xf32>, vector<16xi32> -> vector<16xf32>
      %add3A_940 = arith.addf %add3A_933, %gather3A_939 : vector<16xf32>
      %xor3A_941 = arith.constant 4 : i32
      %xor3A_942 = vector.broadcast %xor3A_941 : i32 to vector<16xi32>
      %xor3A_943 = arith.xori %iota3A, %xor3A_942 : vector<16xi32>
      %broadcast_in_dim3A_944 = vector.shape_cast %xor3A_943 : vector<16xi32> to vector<16x1xi32>
      %gather3A_945 = vector.shape_cast %broadcast_in_dim3A_944 : vector<16x1xi32> to vector<16xi32>
      %gather3A_946 = tpu.dynamic_gather %add3A_940[%gather3A_945] in [0] : vector<16xf32>, vector<16xi32> -> vector<16xf32>
      %add3A_947 = arith.addf %add3A_940, %gather3A_946 : vector<16xf32>
      %xor3A_948 = arith.constant 8 : i32
      %xor3A_949 = vector.broadcast %xor3A_948 : i32 to vector<16xi32>
      %xor3A_950 = arith.xori %iota3A, %xor3A_949 : vector<16xi32>
      %broadcast_in_dim3A_951 = vector.shape_cast %xor3A_950 : vector<16xi32> to vector<16x1xi32>
      %gather3A_952 = vector.shape_cast %broadcast_in_dim3A_951 : vector<16x1xi32> to vector<16xi32>
      %gather3A_953 = tpu.dynamic_gather %add3A_947[%gather3A_952] in [0] : vector<16xf32>, vector<16xi32> -> vector<16xf32>
      %add3A_954 = arith.addf %add3A_947, %gather3A_953 : vector<16xf32>
      %select_n3A_955 = arith.select %eq3A_926, %add3A_954, %select_n3A_880 : vector<16xi1>, vector<16xf32>
      %mul3A_956 = arith.constant 16 : i32
      %mul3A_957 = arith.muli %scan3A_134, %mul3A_956 : i32
      %add3A_958 = arith.constant 11 : i32
      %add3A_959 = arith.addi %mul3A_957, %add3A_958 : i32
      %get3A_960 = arith.index_cast %add3A_959 : i32 to index
      %get3A_961 = arith.constant 0 : index
      %get3A_962 = tpu.vector_load %arg9[%get3A_960, %get3A_961] {strides = array<i32>} : memref<512x64xf32, #tpu.memory_space<vmem>>, vector<1x16xf32>,
      %get3A_963 = vector.shape_cast %get3A_962 : vector<1x16xf32> to vector<16xf32>
      %get3A_964 = arith.index_cast %add3A_959 : i32 to index
      %get3A_965 = arith.constant 0 : index
      %get3A_966 = tpu.vector_load %arg10[%get3A_964, %get3A_965] {strides = array<i32>} : memref<512x64xf32, #tpu.memory_space<vmem>>, vector<1x16xf32>,
      %get3A_967 = vector.shape_cast %get3A_966 : vector<1x16xf32> to vector<16xf32>
      %mul3A_968 = arith.mulf %get3A_963, %get3A_967 : vector<16xf32>
      %get3A_969 = arith.index_cast %add3A_959 : i32 to index
      %get3A_970 = arith.constant 16 : index
      %get3A_971 = tpu.vector_load %arg9[%get3A_969, %get3A_970] {strides = array<i32>} : memref<512x64xf32, #tpu.memory_space<vmem>>, vector<1x16xf32>,
      %get3A_972 = vector.shape_cast %get3A_971 : vector<1x16xf32> to vector<16xf32>
      %get3A_973 = arith.index_cast %add3A_959 : i32 to index
      %get3A_974 = arith.constant 16 : index
      %get3A_975 = tpu.vector_load %arg10[%get3A_973, %get3A_974] {strides = array<i32>} : memref<512x64xf32, #tpu.memory_space<vmem>>, vector<1x16xf32>,
      %get3A_976 = vector.shape_cast %get3A_975 : vector<1x16xf32> to vector<16xf32>
      %mul3A_977 = arith.mulf %get3A_972, %get3A_976 : vector<16xf32>
      %add3A_978 = arith.addf %mul3A_968, %mul3A_977 : vector<16xf32>
      %get3A_979 = arith.index_cast %add3A_959 : i32 to index
      %get3A_980 = arith.constant 32 : index
      %get3A_981 = tpu.vector_load %arg9[%get3A_979, %get3A_980] {strides = array<i32>} : memref<512x64xf32, #tpu.memory_space<vmem>>, vector<1x16xf32>,
      %get3A_982 = vector.shape_cast %get3A_981 : vector<1x16xf32> to vector<16xf32>
      %get3A_983 = arith.index_cast %add3A_959 : i32 to index
      %get3A_984 = arith.constant 32 : index
      %get3A_985 = tpu.vector_load %arg10[%get3A_983, %get3A_984] {strides = array<i32>} : memref<512x64xf32, #tpu.memory_space<vmem>>, vector<1x16xf32>,
      %get3A_986 = vector.shape_cast %get3A_985 : vector<1x16xf32> to vector<16xf32>
      %mul3A_987 = arith.mulf %get3A_982, %get3A_986 : vector<16xf32>
      %add3A_988 = arith.addf %add3A_978, %mul3A_987 : vector<16xf32>
      %get3A_989 = arith.index_cast %add3A_959 : i32 to index
      %get3A_990 = arith.constant 48 : index
      %get3A_991 = tpu.vector_load %arg9[%get3A_989, %get3A_990] {strides = array<i32>} : memref<512x64xf32, #tpu.memory_space<vmem>>, vector<1x16xf32>,
      %get3A_992 = vector.shape_cast %get3A_991 : vector<1x16xf32> to vector<16xf32>
      %get3A_993 = arith.index_cast %add3A_959 : i32 to index
      %get3A_994 = arith.constant 48 : index
      %get3A_995 = tpu.vector_load %arg10[%get3A_993, %get3A_994] {strides = array<i32>} : memref<512x64xf32, #tpu.memory_space<vmem>>, vector<1x16xf32>,
      %get3A_996 = vector.shape_cast %get3A_995 : vector<1x16xf32> to vector<16xf32>
      %mul3A_997 = arith.mulf %get3A_992, %get3A_996 : vector<16xf32>
      %add3A_998 = arith.addf %add3A_988, %mul3A_997 : vector<16xf32>
      %eq3A_999 = arith.constant 11 : i32
      %eq3A_1000 = vector.broadcast %eq3A_999 : i32 to vector<16xi32>
      %eq3A_1001 = arith.cmpi eq, %iota3A, %eq3A_1000 : vector<16xi32>
      %xor3A_1002 = arith.constant 1 : i32
      %xor3A_1003 = vector.broadcast %xor3A_1002 : i32 to vector<16xi32>
      %xor3A_1004 = arith.xori %iota3A, %xor3A_1003 : vector<16xi32>
      %broadcast_in_dim3A_1005 = vector.shape_cast %xor3A_1004 : vector<16xi32> to vector<16x1xi32>
      %gather3A_1006 = vector.shape_cast %broadcast_in_dim3A_1005 : vector<16x1xi32> to vector<16xi32>
      %gather3A_1007 = tpu.dynamic_gather %add3A_998[%gather3A_1006] in [0] : vector<16xf32>, vector<16xi32> -> vector<16xf32>
      %add3A_1008 = arith.addf %add3A_998, %gather3A_1007 : vector<16xf32>
      %xor3A_1009 = arith.constant 2 : i32
      %xor3A_1010 = vector.broadcast %xor3A_1009 : i32 to vector<16xi32>
      %xor3A_1011 = arith.xori %iota3A, %xor3A_1010 : vector<16xi32>
      %broadcast_in_dim3A_1012 = vector.shape_cast %xor3A_1011 : vector<16xi32> to vector<16x1xi32>
      %gather3A_1013 = vector.shape_cast %broadcast_in_dim3A_1012 : vector<16x1xi32> to vector<16xi32>
      %gather3A_1014 = tpu.dynamic_gather %add3A_1008[%gather3A_1013] in [0] : vector<16xf32>, vector<16xi32> -> vector<16xf32>
      %add3A_1015 = arith.addf %add3A_1008, %gather3A_1014 : vector<16xf32>
      %xor3A_1016 = arith.constant 4 : i32
      %xor3A_1017 = vector.broadcast %xor3A_1016 : i32 to vector<16xi32>
      %xor3A_1018 = arith.xori %iota3A, %xor3A_1017 : vector<16xi32>
      %broadcast_in_dim3A_1019 = vector.shape_cast %xor3A_1018 : vector<16xi32> to vector<16x1xi32>
      %gather3A_1020 = vector.shape_cast %broadcast_in_dim3A_1019 : vector<16x1xi32> to vector<16xi32>
      %gather3A_1021 = tpu.dynamic_gather %add3A_1015[%gather3A_1020] in [0] : vector<16xf32>, vector<16xi32> -> vector<16xf32>
      %add3A_1022 = arith.addf %add3A_1015, %gather3A_1021 : vector<16xf32>
      %xor3A_1023 = arith.constant 8 : i32
      %xor3A_1024 = vector.broadcast %xor3A_1023 : i32 to vector<16xi32>
      %xor3A_1025 = arith.xori %iota3A, %xor3A_1024 : vector<16xi32>
      %broadcast_in_dim3A_1026 = vector.shape_cast %xor3A_1025 : vector<16xi32> to vector<16x1xi32>
      %gather3A_1027 = vector.shape_cast %broadcast_in_dim3A_1026 : vector<16x1xi32> to vector<16xi32>
      %gather3A_1028 = tpu.dynamic_gather %add3A_1022[%gather3A_1027] in [0] : vector<16xf32>, vector<16xi32> -> vector<16xf32>
      %add3A_1029 = arith.addf %add3A_1022, %gather3A_1028 : vector<16xf32>
      %select_n3A_1030 = arith.select %eq3A_1001, %add3A_1029, %select_n3A_955 : vector<16xi1>, vector<16xf32>
      %mul3A_1031 = arith.constant 16 : i32
      %mul3A_1032 = arith.muli %scan3A_134, %mul3A_1031 : i32
      %add3A_1033 = arith.constant 12 : i32
      %add3A_1034 = arith.addi %mul3A_1032, %add3A_1033 : i32
      %get3A_1035 = arith.index_cast %add3A_1034 : i32 to index
      %get3A_1036 = arith.constant 0 : index
      %get3A_1037 = tpu.vector_load %arg9[%get3A_1035, %get3A_1036] {strides = array<i32>} : memref<512x64xf32, #tpu.memory_space<vmem>>, vector<1x16xf32>,
      %get3A_1038 = vector.shape_cast %get3A_1037 : vector<1x16xf32> to vector<16xf32>
      %get3A_1039 = arith.index_cast %add3A_1034 : i32 to index
      %get3A_1040 = arith.constant 0 : index
      %get3A_1041 = tpu.vector_load %arg10[%get3A_1039, %get3A_1040] {strides = array<i32>} : memref<512x64xf32, #tpu.memory_space<vmem>>, vector<1x16xf32>,
      %get3A_1042 = vector.shape_cast %get3A_1041 : vector<1x16xf32> to vector<16xf32>
      %mul3A_1043 = arith.mulf %get3A_1038, %get3A_1042 : vector<16xf32>
      %get3A_1044 = arith.index_cast %add3A_1034 : i32 to index
      %get3A_1045 = arith.constant 16 : index
      %get3A_1046 = tpu.vector_load %arg9[%get3A_1044, %get3A_1045] {strides = array<i32>} : memref<512x64xf32, #tpu.memory_space<vmem>>, vector<1x16xf32>,
      %get3A_1047 = vector.shape_cast %get3A_1046 : vector<1x16xf32> to vector<16xf32>
      %get3A_1048 = arith.index_cast %add3A_1034 : i32 to index
      %get3A_1049 = arith.constant 16 : index
      %get3A_1050 = tpu.vector_load %arg10[%get3A_1048, %get3A_1049] {strides = array<i32>} : memref<512x64xf32, #tpu.memory_space<vmem>>, vector<1x16xf32>,
      %get3A_1051 = vector.shape_cast %get3A_1050 : vector<1x16xf32> to vector<16xf32>
      %mul3A_1052 = arith.mulf %get3A_1047, %get3A_1051 : vector<16xf32>
      %add3A_1053 = arith.addf %mul3A_1043, %mul3A_1052 : vector<16xf32>
      %get3A_1054 = arith.index_cast %add3A_1034 : i32 to index
      %get3A_1055 = arith.constant 32 : index
      %get3A_1056 = tpu.vector_load %arg9[%get3A_1054, %get3A_1055] {strides = array<i32>} : memref<512x64xf32, #tpu.memory_space<vmem>>, vector<1x16xf32>,
      %get3A_1057 = vector.shape_cast %get3A_1056 : vector<1x16xf32> to vector<16xf32>
      %get3A_1058 = arith.index_cast %add3A_1034 : i32 to index
      %get3A_1059 = arith.constant 32 : index
      %get3A_1060 = tpu.vector_load %arg10[%get3A_1058, %get3A_1059] {strides = array<i32>} : memref<512x64xf32, #tpu.memory_space<vmem>>, vector<1x16xf32>,
      %get3A_1061 = vector.shape_cast %get3A_1060 : vector<1x16xf32> to vector<16xf32>
      %mul3A_1062 = arith.mulf %get3A_1057, %get3A_1061 : vector<16xf32>
      %add3A_1063 = arith.addf %add3A_1053, %mul3A_1062 : vector<16xf32>
      %get3A_1064 = arith.index_cast %add3A_1034 : i32 to index
      %get3A_1065 = arith.constant 48 : index
      %get3A_1066 = tpu.vector_load %arg9[%get3A_1064, %get3A_1065] {strides = array<i32>} : memref<512x64xf32, #tpu.memory_space<vmem>>, vector<1x16xf32>,
      %get3A_1067 = vector.shape_cast %get3A_1066 : vector<1x16xf32> to vector<16xf32>
      %get3A_1068 = arith.index_cast %add3A_1034 : i32 to index
      %get3A_1069 = arith.constant 48 : index
      %get3A_1070 = tpu.vector_load %arg10[%get3A_1068, %get3A_1069] {strides = array<i32>} : memref<512x64xf32, #tpu.memory_space<vmem>>, vector<1x16xf32>,
      %get3A_1071 = vector.shape_cast %get3A_1070 : vector<1x16xf32> to vector<16xf32>
      %mul3A_1072 = arith.mulf %get3A_1067, %get3A_1071 : vector<16xf32>
      %add3A_1073 = arith.addf %add3A_1063, %mul3A_1072 : vector<16xf32>
      %eq3A_1074 = arith.constant 12 : i32
      %eq3A_1075 = vector.broadcast %eq3A_1074 : i32 to vector<16xi32>
      %eq3A_1076 = arith.cmpi eq, %iota3A, %eq3A_1075 : vector<16xi32>
      %xor3A_1077 = arith.constant 1 : i32
      %xor3A_1078 = vector.broadcast %xor3A_1077 : i32 to vector<16xi32>
      %xor3A_1079 = arith.xori %iota3A, %xor3A_1078 : vector<16xi32>
      %broadcast_in_dim3A_1080 = vector.shape_cast %xor3A_1079 : vector<16xi32> to vector<16x1xi32>
      %gather3A_1081 = vector.shape_cast %broadcast_in_dim3A_1080 : vector<16x1xi32> to vector<16xi32>
      %gather3A_1082 = tpu.dynamic_gather %add3A_1073[%gather3A_1081] in [0] : vector<16xf32>, vector<16xi32> -> vector<16xf32>
      %add3A_1083 = arith.addf %add3A_1073, %gather3A_1082 : vector<16xf32>
      %xor3A_1084 = arith.constant 2 : i32
      %xor3A_1085 = vector.broadcast %xor3A_1084 : i32 to vector<16xi32>
      %xor3A_1086 = arith.xori %iota3A, %xor3A_1085 : vector<16xi32>
      %broadcast_in_dim3A_1087 = vector.shape_cast %xor3A_1086 : vector<16xi32> to vector<16x1xi32>
      %gather3A_1088 = vector.shape_cast %broadcast_in_dim3A_1087 : vector<16x1xi32> to vector<16xi32>
      %gather3A_1089 = tpu.dynamic_gather %add3A_1083[%gather3A_1088] in [0] : vector<16xf32>, vector<16xi32> -> vector<16xf32>
      %add3A_1090 = arith.addf %add3A_1083, %gather3A_1089 : vector<16xf32>
      %xor3A_1091 = arith.constant 4 : i32
      %xor3A_1092 = vector.broadcast %xor3A_1091 : i32 to vector<16xi32>
      %xor3A_1093 = arith.xori %iota3A, %xor3A_1092 : vector<16xi32>
      %broadcast_in_dim3A_1094 = vector.shape_cast %xor3A_1093 : vector<16xi32> to vector<16x1xi32>
      %gather3A_1095 = vector.shape_cast %broadcast_in_dim3A_1094 : vector<16x1xi32> to vector<16xi32>
      %gather3A_1096 = tpu.dynamic_gather %add3A_1090[%gather3A_1095] in [0] : vector<16xf32>, vector<16xi32> -> vector<16xf32>
      %add3A_1097 = arith.addf %add3A_1090, %gather3A_1096 : vector<16xf32>
      %xor3A_1098 = arith.constant 8 : i32
      %xor3A_1099 = vector.broadcast %xor3A_1098 : i32 to vector<16xi32>
      %xor3A_1100 = arith.xori %iota3A, %xor3A_1099 : vector<16xi32>
      %broadcast_in_dim3A_1101 = vector.shape_cast %xor3A_1100 : vector<16xi32> to vector<16x1xi32>
      %gather3A_1102 = vector.shape_cast %broadcast_in_dim3A_1101 : vector<16x1xi32> to vector<16xi32>
      %gather3A_1103 = tpu.dynamic_gather %add3A_1097[%gather3A_1102] in [0] : vector<16xf32>, vector<16xi32> -> vector<16xf32>
      %add3A_1104 = arith.addf %add3A_1097, %gather3A_1103 : vector<16xf32>
      %select_n3A_1105 = arith.select %eq3A_1076, %add3A_1104, %select_n3A_1030 : vector<16xi1>, vector<16xf32>
      %mul3A_1106 = arith.constant 16 : i32
      %mul3A_1107 = arith.muli %scan3A_134, %mul3A_1106 : i32
      %add3A_1108 = arith.constant 13 : i32
      %add3A_1109 = arith.addi %mul3A_1107, %add3A_1108 : i32
      %get3A_1110 = arith.index_cast %add3A_1109 : i32 to index
      %get3A_1111 = arith.constant 0 : index
      %get3A_1112 = tpu.vector_load %arg9[%get3A_1110, %get3A_1111] {strides = array<i32>} : memref<512x64xf32, #tpu.memory_space<vmem>>, vector<1x16xf32>,
      %get3A_1113 = vector.shape_cast %get3A_1112 : vector<1x16xf32> to vector<16xf32>
      %get3A_1114 = arith.index_cast %add3A_1109 : i32 to index
      %get3A_1115 = arith.constant 0 : index
      %get3A_1116 = tpu.vector_load %arg10[%get3A_1114, %get3A_1115] {strides = array<i32>} : memref<512x64xf32, #tpu.memory_space<vmem>>, vector<1x16xf32>,
      %get3A_1117 = vector.shape_cast %get3A_1116 : vector<1x16xf32> to vector<16xf32>
      %mul3A_1118 = arith.mulf %get3A_1113, %get3A_1117 : vector<16xf32>
      %get3A_1119 = arith.index_cast %add3A_1109 : i32 to index
      %get3A_1120 = arith.constant 16 : index
      %get3A_1121 = tpu.vector_load %arg9[%get3A_1119, %get3A_1120] {strides = array<i32>} : memref<512x64xf32, #tpu.memory_space<vmem>>, vector<1x16xf32>,
      %get3A_1122 = vector.shape_cast %get3A_1121 : vector<1x16xf32> to vector<16xf32>
      %get3A_1123 = arith.index_cast %add3A_1109 : i32 to index
      %get3A_1124 = arith.constant 16 : index
      %get3A_1125 = tpu.vector_load %arg10[%get3A_1123, %get3A_1124] {strides = array<i32>} : memref<512x64xf32, #tpu.memory_space<vmem>>, vector<1x16xf32>,
      %get3A_1126 = vector.shape_cast %get3A_1125 : vector<1x16xf32> to vector<16xf32>
      %mul3A_1127 = arith.mulf %get3A_1122, %get3A_1126 : vector<16xf32>
      %add3A_1128 = arith.addf %mul3A_1118, %mul3A_1127 : vector<16xf32>
      %get3A_1129 = arith.index_cast %add3A_1109 : i32 to index
      %get3A_1130 = arith.constant 32 : index
      %get3A_1131 = tpu.vector_load %arg9[%get3A_1129, %get3A_1130] {strides = array<i32>} : memref<512x64xf32, #tpu.memory_space<vmem>>, vector<1x16xf32>,
      %get3A_1132 = vector.shape_cast %get3A_1131 : vector<1x16xf32> to vector<16xf32>
      %get3A_1133 = arith.index_cast %add3A_1109 : i32 to index
      %get3A_1134 = arith.constant 32 : index
      %get3A_1135 = tpu.vector_load %arg10[%get3A_1133, %get3A_1134] {strides = array<i32>} : memref<512x64xf32, #tpu.memory_space<vmem>>, vector<1x16xf32>,
      %get3A_1136 = vector.shape_cast %get3A_1135 : vector<1x16xf32> to vector<16xf32>
      %mul3A_1137 = arith.mulf %get3A_1132, %get3A_1136 : vector<16xf32>
      %add3A_1138 = arith.addf %add3A_1128, %mul3A_1137 : vector<16xf32>
      %get3A_1139 = arith.index_cast %add3A_1109 : i32 to index
      %get3A_1140 = arith.constant 48 : index
      %get3A_1141 = tpu.vector_load %arg9[%get3A_1139, %get3A_1140] {strides = array<i32>} : memref<512x64xf32, #tpu.memory_space<vmem>>, vector<1x16xf32>,
      %get3A_1142 = vector.shape_cast %get3A_1141 : vector<1x16xf32> to vector<16xf32>
      %get3A_1143 = arith.index_cast %add3A_1109 : i32 to index
      %get3A_1144 = arith.constant 48 : index
      %get3A_1145 = tpu.vector_load %arg10[%get3A_1143, %get3A_1144] {strides = array<i32>} : memref<512x64xf32, #tpu.memory_space<vmem>>, vector<1x16xf32>,
      %get3A_1146 = vector.shape_cast %get3A_1145 : vector<1x16xf32> to vector<16xf32>
      %mul3A_1147 = arith.mulf %get3A_1142, %get3A_1146 : vector<16xf32>
      %add3A_1148 = arith.addf %add3A_1138, %mul3A_1147 : vector<16xf32>
      %eq3A_1149 = arith.constant 13 : i32
      %eq3A_1150 = vector.broadcast %eq3A_1149 : i32 to vector<16xi32>
      %eq3A_1151 = arith.cmpi eq, %iota3A, %eq3A_1150 : vector<16xi32>
      %xor3A_1152 = arith.constant 1 : i32
      %xor3A_1153 = vector.broadcast %xor3A_1152 : i32 to vector<16xi32>
      %xor3A_1154 = arith.xori %iota3A, %xor3A_1153 : vector<16xi32>
      %broadcast_in_dim3A_1155 = vector.shape_cast %xor3A_1154 : vector<16xi32> to vector<16x1xi32>
      %gather3A_1156 = vector.shape_cast %broadcast_in_dim3A_1155 : vector<16x1xi32> to vector<16xi32>
      %gather3A_1157 = tpu.dynamic_gather %add3A_1148[%gather3A_1156] in [0] : vector<16xf32>, vector<16xi32> -> vector<16xf32>
      %add3A_1158 = arith.addf %add3A_1148, %gather3A_1157 : vector<16xf32>
      %xor3A_1159 = arith.constant 2 : i32
      %xor3A_1160 = vector.broadcast %xor3A_1159 : i32 to vector<16xi32>
      %xor3A_1161 = arith.xori %iota3A, %xor3A_1160 : vector<16xi32>
      %broadcast_in_dim3A_1162 = vector.shape_cast %xor3A_1161 : vector<16xi32> to vector<16x1xi32>
      %gather3A_1163 = vector.shape_cast %broadcast_in_dim3A_1162 : vector<16x1xi32> to vector<16xi32>
      %gather3A_1164 = tpu.dynamic_gather %add3A_1158[%gather3A_1163] in [0] : vector<16xf32>, vector<16xi32> -> vector<16xf32>
      %add3A_1165 = arith.addf %add3A_1158, %gather3A_1164 : vector<16xf32>
      %xor3A_1166 = arith.constant 4 : i32
      %xor3A_1167 = vector.broadcast %xor3A_1166 : i32 to vector<16xi32>
      %xor3A_1168 = arith.xori %iota3A, %xor3A_1167 : vector<16xi32>
      %broadcast_in_dim3A_1169 = vector.shape_cast %xor3A_1168 : vector<16xi32> to vector<16x1xi32>
      %gather3A_1170 = vector.shape_cast %broadcast_in_dim3A_1169 : vector<16x1xi32> to vector<16xi32>
      %gather3A_1171 = tpu.dynamic_gather %add3A_1165[%gather3A_1170] in [0] : vector<16xf32>, vector<16xi32> -> vector<16xf32>
      %add3A_1172 = arith.addf %add3A_1165, %gather3A_1171 : vector<16xf32>
      %xor3A_1173 = arith.constant 8 : i32
      %xor3A_1174 = vector.broadcast %xor3A_1173 : i32 to vector<16xi32>
      %xor3A_1175 = arith.xori %iota3A, %xor3A_1174 : vector<16xi32>
      %broadcast_in_dim3A_1176 = vector.shape_cast %xor3A_1175 : vector<16xi32> to vector<16x1xi32>
      %gather3A_1177 = vector.shape_cast %broadcast_in_dim3A_1176 : vector<16x1xi32> to vector<16xi32>
      %gather3A_1178 = tpu.dynamic_gather %add3A_1172[%gather3A_1177] in [0] : vector<16xf32>, vector<16xi32> -> vector<16xf32>
      %add3A_1179 = arith.addf %add3A_1172, %gather3A_1178 : vector<16xf32>
      %select_n3A_1180 = arith.select %eq3A_1151, %add3A_1179, %select_n3A_1105 : vector<16xi1>, vector<16xf32>
      %mul3A_1181 = arith.constant 16 : i32
      %mul3A_1182 = arith.muli %scan3A_134, %mul3A_1181 : i32
      %add3A_1183 = arith.constant 14 : i32
      %add3A_1184 = arith.addi %mul3A_1182, %add3A_1183 : i32
      %get3A_1185 = arith.index_cast %add3A_1184 : i32 to index
      %get3A_1186 = arith.constant 0 : index
      %get3A_1187 = tpu.vector_load %arg9[%get3A_1185, %get3A_1186] {strides = array<i32>} : memref<512x64xf32, #tpu.memory_space<vmem>>, vector<1x16xf32>,
      %get3A_1188 = vector.shape_cast %get3A_1187 : vector<1x16xf32> to vector<16xf32>
      %get3A_1189 = arith.index_cast %add3A_1184 : i32 to index
      %get3A_1190 = arith.constant 0 : index
      %get3A_1191 = tpu.vector_load %arg10[%get3A_1189, %get3A_1190] {strides = array<i32>} : memref<512x64xf32, #tpu.memory_space<vmem>>, vector<1x16xf32>,
      %get3A_1192 = vector.shape_cast %get3A_1191 : vector<1x16xf32> to vector<16xf32>
      %mul3A_1193 = arith.mulf %get3A_1188, %get3A_1192 : vector<16xf32>
      %get3A_1194 = arith.index_cast %add3A_1184 : i32 to index
      %get3A_1195 = arith.constant 16 : index
      %get3A_1196 = tpu.vector_load %arg9[%get3A_1194, %get3A_1195] {strides = array<i32>} : memref<512x64xf32, #tpu.memory_space<vmem>>, vector<1x16xf32>,
      %get3A_1197 = vector.shape_cast %get3A_1196 : vector<1x16xf32> to vector<16xf32>
      %get3A_1198 = arith.index_cast %add3A_1184 : i32 to index
      %get3A_1199 = arith.constant 16 : index
      %get3A_1200 = tpu.vector_load %arg10[%get3A_1198, %get3A_1199] {strides = array<i32>} : memref<512x64xf32, #tpu.memory_space<vmem>>, vector<1x16xf32>,
      %get3A_1201 = vector.shape_cast %get3A_1200 : vector<1x16xf32> to vector<16xf32>
      %mul3A_1202 = arith.mulf %get3A_1197, %get3A_1201 : vector<16xf32>
      %add3A_1203 = arith.addf %mul3A_1193, %mul3A_1202 : vector<16xf32>
      %get3A_1204 = arith.index_cast %add3A_1184 : i32 to index
      %get3A_1205 = arith.constant 32 : index
      %get3A_1206 = tpu.vector_load %arg9[%get3A_1204, %get3A_1205] {strides = array<i32>} : memref<512x64xf32, #tpu.memory_space<vmem>>, vector<1x16xf32>,
      %get3A_1207 = vector.shape_cast %get3A_1206 : vector<1x16xf32> to vector<16xf32>
      %get3A_1208 = arith.index_cast %add3A_1184 : i32 to index
      %get3A_1209 = arith.constant 32 : index
      %get3A_1210 = tpu.vector_load %arg10[%get3A_1208, %get3A_1209] {strides = array<i32>} : memref<512x64xf32, #tpu.memory_space<vmem>>, vector<1x16xf32>,
      %get3A_1211 = vector.shape_cast %get3A_1210 : vector<1x16xf32> to vector<16xf32>
      %mul3A_1212 = arith.mulf %get3A_1207, %get3A_1211 : vector<16xf32>
      %add3A_1213 = arith.addf %add3A_1203, %mul3A_1212 : vector<16xf32>
      %get3A_1214 = arith.index_cast %add3A_1184 : i32 to index
      %get3A_1215 = arith.constant 48 : index
      %get3A_1216 = tpu.vector_load %arg9[%get3A_1214, %get3A_1215] {strides = array<i32>} : memref<512x64xf32, #tpu.memory_space<vmem>>, vector<1x16xf32>,
      %get3A_1217 = vector.shape_cast %get3A_1216 : vector<1x16xf32> to vector<16xf32>
      %get3A_1218 = arith.index_cast %add3A_1184 : i32 to index
      %get3A_1219 = arith.constant 48 : index
      %get3A_1220 = tpu.vector_load %arg10[%get3A_1218, %get3A_1219] {strides = array<i32>} : memref<512x64xf32, #tpu.memory_space<vmem>>, vector<1x16xf32>,
      %get3A_1221 = vector.shape_cast %get3A_1220 : vector<1x16xf32> to vector<16xf32>
      %mul3A_1222 = arith.mulf %get3A_1217, %get3A_1221 : vector<16xf32>
      %add3A_1223 = arith.addf %add3A_1213, %mul3A_1222 : vector<16xf32>
      %eq3A_1224 = arith.constant 14 : i32
      %eq3A_1225 = vector.broadcast %eq3A_1224 : i32 to vector<16xi32>
      %eq3A_1226 = arith.cmpi eq, %iota3A, %eq3A_1225 : vector<16xi32>
      %xor3A_1227 = arith.constant 1 : i32
      %xor3A_1228 = vector.broadcast %xor3A_1227 : i32 to vector<16xi32>
      %xor3A_1229 = arith.xori %iota3A, %xor3A_1228 : vector<16xi32>
      %broadcast_in_dim3A_1230 = vector.shape_cast %xor3A_1229 : vector<16xi32> to vector<16x1xi32>
      %gather3A_1231 = vector.shape_cast %broadcast_in_dim3A_1230 : vector<16x1xi32> to vector<16xi32>
      %gather3A_1232 = tpu.dynamic_gather %add3A_1223[%gather3A_1231] in [0] : vector<16xf32>, vector<16xi32> -> vector<16xf32>
      %add3A_1233 = arith.addf %add3A_1223, %gather3A_1232 : vector<16xf32>
      %xor3A_1234 = arith.constant 2 : i32
      %xor3A_1235 = vector.broadcast %xor3A_1234 : i32 to vector<16xi32>
      %xor3A_1236 = arith.xori %iota3A, %xor3A_1235 : vector<16xi32>
      %broadcast_in_dim3A_1237 = vector.shape_cast %xor3A_1236 : vector<16xi32> to vector<16x1xi32>
      %gather3A_1238 = vector.shape_cast %broadcast_in_dim3A_1237 : vector<16x1xi32> to vector<16xi32>
      %gather3A_1239 = tpu.dynamic_gather %add3A_1233[%gather3A_1238] in [0] : vector<16xf32>, vector<16xi32> -> vector<16xf32>
      %add3A_1240 = arith.addf %add3A_1233, %gather3A_1239 : vector<16xf32>
      %xor3A_1241 = arith.constant 4 : i32
      %xor3A_1242 = vector.broadcast %xor3A_1241 : i32 to vector<16xi32>
      %xor3A_1243 = arith.xori %iota3A, %xor3A_1242 : vector<16xi32>
      %broadcast_in_dim3A_1244 = vector.shape_cast %xor3A_1243 : vector<16xi32> to vector<16x1xi32>
      %gather3A_1245 = vector.shape_cast %broadcast_in_dim3A_1244 : vector<16x1xi32> to vector<16xi32>
      %gather3A_1246 = tpu.dynamic_gather %add3A_1240[%gather3A_1245] in [0] : vector<16xf32>, vector<16xi32> -> vector<16xf32>
      %add3A_1247 = arith.addf %add3A_1240, %gather3A_1246 : vector<16xf32>
      %xor3A_1248 = arith.constant 8 : i32
      %xor3A_1249 = vector.broadcast %xor3A_1248 : i32 to vector<16xi32>
      %xor3A_1250 = arith.xori %iota3A, %xor3A_1249 : vector<16xi32>
      %broadcast_in_dim3A_1251 = vector.shape_cast %xor3A_1250 : vector<16xi32> to vector<16x1xi32>
      %gather3A_1252 = vector.shape_cast %broadcast_in_dim3A_1251 : vector<16x1xi32> to vector<16xi32>
      %gather3A_1253 = tpu.dynamic_gather %add3A_1247[%gather3A_1252] in [0] : vector<16xf32>, vector<16xi32> -> vector<16xf32>
      %add3A_1254 = arith.addf %add3A_1247, %gather3A_1253 : vector<16xf32>
      %select_n3A_1255 = arith.select %eq3A_1226, %add3A_1254, %select_n3A_1180 : vector<16xi1>, vector<16xf32>
      %mul3A_1256 = arith.constant 16 : i32
      %mul3A_1257 = arith.muli %scan3A_134, %mul3A_1256 : i32
      %add3A_1258 = arith.constant 15 : i32
      %add3A_1259 = arith.addi %mul3A_1257, %add3A_1258 : i32
      %get3A_1260 = arith.index_cast %add3A_1259 : i32 to index
      %get3A_1261 = arith.constant 0 : index
      %get3A_1262 = tpu.vector_load %arg9[%get3A_1260, %get3A_1261] {strides = array<i32>} : memref<512x64xf32, #tpu.memory_space<vmem>>, vector<1x16xf32>,
      %get3A_1263 = vector.shape_cast %get3A_1262 : vector<1x16xf32> to vector<16xf32>
      %get3A_1264 = arith.index_cast %add3A_1259 : i32 to index
      %get3A_1265 = arith.constant 0 : index
      %get3A_1266 = tpu.vector_load %arg10[%get3A_1264, %get3A_1265] {strides = array<i32>} : memref<512x64xf32, #tpu.memory_space<vmem>>, vector<1x16xf32>,
      %get3A_1267 = vector.shape_cast %get3A_1266 : vector<1x16xf32> to vector<16xf32>
      %mul3A_1268 = arith.mulf %get3A_1263, %get3A_1267 : vector<16xf32>
      %get3A_1269 = arith.index_cast %add3A_1259 : i32 to index
      %get3A_1270 = arith.constant 16 : index
      %get3A_1271 = tpu.vector_load %arg9[%get3A_1269, %get3A_1270] {strides = array<i32>} : memref<512x64xf32, #tpu.memory_space<vmem>>, vector<1x16xf32>,
      %get3A_1272 = vector.shape_cast %get3A_1271 : vector<1x16xf32> to vector<16xf32>
      %get3A_1273 = arith.index_cast %add3A_1259 : i32 to index
      %get3A_1274 = arith.constant 16 : index
      %get3A_1275 = tpu.vector_load %arg10[%get3A_1273, %get3A_1274] {strides = array<i32>} : memref<512x64xf32, #tpu.memory_space<vmem>>, vector<1x16xf32>,
      %get3A_1276 = vector.shape_cast %get3A_1275 : vector<1x16xf32> to vector<16xf32>
      %mul3A_1277 = arith.mulf %get3A_1272, %get3A_1276 : vector<16xf32>
      %add3A_1278 = arith.addf %mul3A_1268, %mul3A_1277 : vector<16xf32>
      %get3A_1279 = arith.index_cast %add3A_1259 : i32 to index
      %get3A_1280 = arith.constant 32 : index
      %get3A_1281 = tpu.vector_load %arg9[%get3A_1279, %get3A_1280] {strides = array<i32>} : memref<512x64xf32, #tpu.memory_space<vmem>>, vector<1x16xf32>,
      %get3A_1282 = vector.shape_cast %get3A_1281 : vector<1x16xf32> to vector<16xf32>
      %get3A_1283 = arith.index_cast %add3A_1259 : i32 to index
      %get3A_1284 = arith.constant 32 : index
      %get3A_1285 = tpu.vector_load %arg10[%get3A_1283, %get3A_1284] {strides = array<i32>} : memref<512x64xf32, #tpu.memory_space<vmem>>, vector<1x16xf32>,
      %get3A_1286 = vector.shape_cast %get3A_1285 : vector<1x16xf32> to vector<16xf32>
      %mul3A_1287 = arith.mulf %get3A_1282, %get3A_1286 : vector<16xf32>
      %add3A_1288 = arith.addf %add3A_1278, %mul3A_1287 : vector<16xf32>
      %get3A_1289 = arith.index_cast %add3A_1259 : i32 to index
      %get3A_1290 = arith.constant 48 : index
      %get3A_1291 = tpu.vector_load %arg9[%get3A_1289, %get3A_1290] {strides = array<i32>} : memref<512x64xf32, #tpu.memory_space<vmem>>, vector<1x16xf32>,
      %get3A_1292 = vector.shape_cast %get3A_1291 : vector<1x16xf32> to vector<16xf32>
      %get3A_1293 = arith.index_cast %add3A_1259 : i32 to index
      %get3A_1294 = arith.constant 48 : index
      %get3A_1295 = tpu.vector_load %arg10[%get3A_1293, %get3A_1294] {strides = array<i32>} : memref<512x64xf32, #tpu.memory_space<vmem>>, vector<1x16xf32>,
      %get3A_1296 = vector.shape_cast %get3A_1295 : vector<1x16xf32> to vector<16xf32>
      %mul3A_1297 = arith.mulf %get3A_1292, %get3A_1296 : vector<16xf32>
      %add3A_1298 = arith.addf %add3A_1288, %mul3A_1297 : vector<16xf32>
      %eq3A_1299 = arith.constant 15 : i32
      %eq3A_1300 = vector.broadcast %eq3A_1299 : i32 to vector<16xi32>
      %eq3A_1301 = arith.cmpi eq, %iota3A, %eq3A_1300 : vector<16xi32>
      %xor3A_1302 = arith.constant 1 : i32
      %xor3A_1303 = vector.broadcast %xor3A_1302 : i32 to vector<16xi32>
      %xor3A_1304 = arith.xori %iota3A, %xor3A_1303 : vector<16xi32>
      %broadcast_in_dim3A_1305 = vector.shape_cast %xor3A_1304 : vector<16xi32> to vector<16x1xi32>
      %gather3A_1306 = vector.shape_cast %broadcast_in_dim3A_1305 : vector<16x1xi32> to vector<16xi32>
      %gather3A_1307 = tpu.dynamic_gather %add3A_1298[%gather3A_1306] in [0] : vector<16xf32>, vector<16xi32> -> vector<16xf32>
      %add3A_1308 = arith.addf %add3A_1298, %gather3A_1307 : vector<16xf32>
      %xor3A_1309 = arith.constant 2 : i32
      %xor3A_1310 = vector.broadcast %xor3A_1309 : i32 to vector<16xi32>
      %xor3A_1311 = arith.xori %iota3A, %xor3A_1310 : vector<16xi32>
      %broadcast_in_dim3A_1312 = vector.shape_cast %xor3A_1311 : vector<16xi32> to vector<16x1xi32>
      %gather3A_1313 = vector.shape_cast %broadcast_in_dim3A_1312 : vector<16x1xi32> to vector<16xi32>
      %gather3A_1314 = tpu.dynamic_gather %add3A_1308[%gather3A_1313] in [0] : vector<16xf32>, vector<16xi32> -> vector<16xf32>
      %add3A_1315 = arith.addf %add3A_1308, %gather3A_1314 : vector<16xf32>
      %xor3A_1316 = arith.constant 4 : i32
      %xor3A_1317 = vector.broadcast %xor3A_1316 : i32 to vector<16xi32>
      %xor3A_1318 = arith.xori %iota3A, %xor3A_1317 : vector<16xi32>
      %broadcast_in_dim3A_1319 = vector.shape_cast %xor3A_1318 : vector<16xi32> to vector<16x1xi32>
      %gather3A_1320 = vector.shape_cast %broadcast_in_dim3A_1319 : vector<16x1xi32> to vector<16xi32>
      %gather3A_1321 = tpu.dynamic_gather %add3A_1315[%gather3A_1320] in [0] : vector<16xf32>, vector<16xi32> -> vector<16xf32>
      %add3A_1322 = arith.addf %add3A_1315, %gather3A_1321 : vector<16xf32>
      %xor3A_1323 = arith.constant 8 : i32
      %xor3A_1324 = vector.broadcast %xor3A_1323 : i32 to vector<16xi32>
      %xor3A_1325 = arith.xori %iota3A, %xor3A_1324 : vector<16xi32>
      %broadcast_in_dim3A_1326 = vector.shape_cast %xor3A_1325 : vector<16xi32> to vector<16x1xi32>
      %gather3A_1327 = vector.shape_cast %broadcast_in_dim3A_1326 : vector<16x1xi32> to vector<16xi32>
      %gather3A_1328 = tpu.dynamic_gather %add3A_1322[%gather3A_1327] in [0] : vector<16xf32>, vector<16xi32> -> vector<16xf32>
      %add3A_1329 = arith.addf %add3A_1322, %gather3A_1328 : vector<16xf32>
      %select_n3A_1330 = arith.select %eq3A_1301, %add3A_1329, %select_n3A_1255 : vector<16xi1>, vector<16xf32>
      %mul3A_1331 = arith.constant 16 : i32
      %mul3A_1332 = arith.muli %scan3A_134, %mul3A_1331 : i32
      %swap3A = arith.index_cast %mul3A_1332 : i32 to index
      %swap3A_1333 = tpu.vector_load %arg11[%swap3A] {strides = array<i32>} : memref<512xf32, #tpu.memory_space<vmem>>, vector<16xf32>,
      %swap3A_1334 = vector.shape_cast %swap3A_1333 : vector<16xf32> to vector<16xf32>
      %swap3A_1335 = vector.shape_cast %select_n3A_1330 : vector<16xf32> to vector<16xf32>
      tpu.vector_store %arg11[%swap3A], %swap3A_1335 {strides = array<i32>} : memref<512xf32, #tpu.memory_space<vmem>>, vector<16xf32>,
    }
    %scan3A_133 = arith.constant 32 : i32
    "tpu.region"() ({
      %run_scoped3A = tpu.sem_alloc : memref<!tpu.dma_semaphore, #tpu.memory_space<semaphore_mem>>
      %dma_start3A_134 = tpu.memref_slice %arg6[%mul3A_2] : memref<16384xf32, #tpu.memory_space<hbm>> -> memref<512xf32, #tpu.memory_space<hbm>>
      %dma_start3A_135 = tpu.memref_slice %arg6[%mul3A_2] : memref<16384xf32, #tpu.memory_space<hbm>> -> memref<512xf32, #tpu.memory_space<hbm>>
      tpu.enqueue_dma source(%arg11 : memref<512xf32, #tpu.memory_space<vmem>>) target(%dma_start3A_135 : memref<512xf32, #tpu.memory_space<hbm>>) target_semaphore(%run_scoped3A : memref<!tpu.dma_semaphore, #tpu.memory_space<semaphore_mem>>)
      %dma_wait3A_136 = tpu.memref_slice %arg6[%mul3A_2] : memref<16384xf32, #tpu.memory_space<hbm>> -> memref<512xf32, #tpu.memory_space<hbm>>
      %dma_wait3A_137 = tpu.memref_slice %arg6[%mul3A_2] : memref<16384xf32, #tpu.memory_space<hbm>> -> memref<512xf32, #tpu.memory_space<hbm>>
      tpu.wait_dma2 semaphore(%run_scoped3A : memref<!tpu.dma_semaphore, #tpu.memory_space<semaphore_mem>>) src(%arg11 : memref<512xf32, #tpu.memory_space<vmem>>) dst(%dma_wait3A_137 : memref<512xf32, #tpu.memory_space<hbm>>)
      tpu.yield
    }) : () -> ()
    return
  }
}

</mosaic_0001>

<sc_bundles>
// kernel: kernel.3.cloned.1.call-start
scs
__scs_entry_jumppad:
0x0: {  	(pc) =	sbr.rel $0x88, $3  }
0x1: {  	(tag) =	ssettag $0x0;
	lr =	simm.s32 $0x1  }
0x2: {  	[smem:$0x3F9D] =	sst lr;
	_ =	strace $0xD0000000  }
0x3: {  	_ = 	snop  }
0x4: {  	_ = 	snop  }
0x5: {  	_ = 	snop  }
0x6: {  	_ = 	snop  }
0x7: {  	_ = 	snop  }
__scs_overlays_trampoline_lowered:
0x8: {  	[smem:$0x3FAC] =	sst s0  }
0x9: {  	[smem:$0x3FAD] =	sst s1  }
0xa: {  	[smem:$0x3FAE] =	sst s2  }
0xb: {  	[smem:$0x3FAF] =	sst s3  }
0xc: {  	[smem:$0x3FB0] =	sst s4  }
0xd: {  	[smem:$0x3FB1] =	sst s5  }
0xe: {  	[smem:$0x3FB2] =	sst s6  }
0xf: {  	[smem:$0x3FB3] =	sst s7  }
0x10: {  	[smem:$0x3FB4] =	sst s8  }
0x11: {  	[smem:$0x3FB5] =	sst s9;
	s0 =	simm.s32 @!p0 $0x0  }
0x12: {  	s1 =	sld [smem:$0x3F9B];
	s0 =	simm.s32 @p0 $0x1  }
0x13: {  	[smem:$0x3FB6] =	sst s0;
	s0 =	simm.s32 @!p1 $0x0  }
0x14: {  	s2 =	sld [smem:$0x3F9A];
	s0 =	simm.s32 @p1 $0x1  }
0x15: {  	[smem:$0x3FB7] =	sst s0;
	s0 =	simm.s32 @!p2 $0x0  }
0x16: {  	s3 =	sld [smem:$0x3FDB];
	s0 =	simm.s32 @p2 $0x1  }
0x17: {  	s4 =	simm.s32 $0x1BF5;
	[smem:$0x3FB9] =	sst s0  }
0x18: {  	s0 =	sld [smem:$0x3F9C];
	_ =	swait.ge [sflag:s4], $0x0  }
0x19: {  	s7 =	sld [smem:$0x3F9D]  }
0x1a: {  	s8 =	sadd.s32 $0xFFFFE003, lr  }
0x1b: {  	s9 =	sadd.s32 $0xFFFFFEF7, lr;
	s5 =	simm.s32 $0xFFFFFFFF;
	p2 =	slt.u32 s8, $0xFFFFF086  }
0x1c: {  	p1 =	slt.u32 s9, $0xF7A;
	s5 =	simm.s32 @!p2 $0x0  }
0x1d: {  	s5 =	simm.s32 @p1 $0x1;
	p0 =	seq.s32 s7, s2  }
0x1e: {  	s7 =	smul.u32 @!p0 $0xF7A, s2;
	p2 =	seq.s32 @!p0 s5, $0x0  }
0x1f: {  	s9 =	smul.u32 $0xF7A, s1;
	s8 =	simm.s32 @!p0 $0x1BF5;
	p2 =	por !p2, p0  }
0x20: {  	[sflag:s8] =	ssyncset.s32 @!p0 $0xFFFFF086;
	s6 =	sadd.s32 @!p0 s3, s7;
	s7 =	simm.s32 @!p0 $0x108  }
0x21: {  	s3 =	sadd.s32 s3, s9;
	s6 =	sadd.s32 @!p0 $0x88, s6;
	s7 =	simm.s32 @p2 $0x1082  }
0x22: {  	[simem:s7], [sflag:s8] =	dma.local @!p0 [hbm:s6], $0xF7A  }
0x23: {  	s9 =	sor.u32 $0xD0000000, s2;
	s6 =	simm.s32 $0x108;
	_ =	swait.ge @!p0 [sflag:s8], $0x0  }
0x24: {  	s3 =	sadd.s32 $0x88, s3;
	s6 =	simm.s32 @!p1 $0x1082;
	[sflag:s4] =	ssyncset.s32 $0xFFFFF086  }
0x25: {  	[simem:s6], [sflag:s4] =	dma.local [hbm:s3], $0xF7A  }
0x26: {  	[smem:$0x3F9D] =	sst s1;
	(tag) =	ssettag s2;
	_ =	strace s9  }
0x27: {  	s1 =	sld [smem:$0x3FAD]  }
0x28: {  	s2 =	sld [smem:$0x3FAE]  }
0x29: {  	s4 =	sld [smem:$0x3FB0]  }
0x2a: {  	p0 =	seq.s32 s5, $0x0;
	s5 =	sld [smem:$0x3FB1]  }
0x2b: {  	s6 =	sld [smem:$0x3FB2]  }
0x2c: {  	s7 =	sld [smem:$0x3FB3]  }
0x2d: {  	s3 =	simm.s32 $0x108;
	s8 =	sld [smem:$0x3FB4]  }
0x2e: {  	s3 =	simm.s32 @!p0 $0x1082;
	s9 =	sld [smem:$0x3FB5]  }
0x2f: {  	lr =	sadd.s32 s0, s3;
	s0 =	sld [smem:$0x3FAC]  }
0x30: {  	s3 =	sld [smem:$0x3FAF]  }
0x31: {  	[smem:$0x3FB8] =	sst s10  }
0x32: {  	s10 =	sld [smem:$0x3FB6];
	_ =	sdelay $0x3  }
0x33: {  	p0 =	seq.s32 s10, $0x1;
	s10 =	sld [smem:$0x3FB8];
	_ =	sdelay $0x3  }
0x34: {  	[smem:$0x3FB8] =	sst s10  }
0x35: {  	s10 =	sld [smem:$0x3FB7];
	_ =	sdelay $0x3  }
0x36: {  	p1 =	seq.s32 s10, $0x1;
	s10 =	sld [smem:$0x3FB8];
	_ =	sdelay $0x3  }
0x37: {  	[smem:$0x3FB8] =	sst s10  }
0x38: {  	s10 =	sld [smem:$0x3FB9]  }
0x39: {  	_ = 	snop;
	(pc) =	sbr.ind lr, $3  }
0x3a: {  	_ = 	snop  }
0x3b: {  	_ = 	snop  }
0x3c: {  	p2 =	seq.s32 s10, $0x1;
	s10 =	sld [smem:$0x3FB8]  }
0x3d: {  	_ =	shalt  }
0x3e: {  	_ =	shalt  }
0x3f: {  	_ =	shalt  }
0x40: {  	_ =	shalt  }
0x41: {  	_ =	shalt  }
0x42: {  	_ =	shalt  }
0x43: {  	_ =	shalt  }
0x44: {  	_ =	shalt  }
0x45: {  	_ =	shalt  }
0x46: {  	_ =	shalt  }
0x47: {  	_ =	shalt  }
0x48: {  	_ =	shalt  }
0x49: {  	_ =	shalt  }
0x4a: {  	_ =	shalt  }
0x4b: {  	_ =	shalt  }
0x4c: {  	_ =	shalt  }
0x4d: {  	_ =	shalt  }
0x4e: {  	_ =	shalt  }
0x4f: {  	_ =	shalt  }
0x50: {  	_ =	shalt  }
0x51: {  	_ =	shalt  }
0x52: {  	_ =	shalt  }
0x53: {  	_ =	shalt  }
0x54: {  	_ =	shalt  }
0x55: {  	_ =	shalt  }
0x56: {  	_ =	shalt  }
0x57: {  	_ =	shalt  }
0x58: {  	_ =	shalt  }
0x59: {  	_ =	shalt  }
0x5a: {  	_ =	shalt  }
0x5b: {  	_ =	shalt  }
0x5c: {  	_ =	shalt  }
0x5d: {  	_ =	shalt  }
0x5e: {  	_ =	shalt  }
0x5f: {  	_ =	shalt  }
0x60: {  	_ =	shalt  }
0x61: {  	_ =	shalt  }
0x62: {  	_ =	shalt  }
0x63: {  	_ =	shalt  }
0x64: {  	_ =	shalt  }
0x65: {  	_ =	shalt  }
0x66: {  	_ =	shalt  }
0x67: {  	_ =	shalt  }
0x68: {  	_ =	shalt  }
0x69: {  	_ =	shalt  }
0x6a: {  	_ =	shalt  }
0x6b: {  	_ =	shalt  }
0x6c: {  	_ =	shalt  }
0x6d: {  	_ =	shalt  }
0x6e: {  	_ =	shalt  }
0x6f: {  	_ =	shalt  }
0x70: {  	_ =	shalt  }
0x71: {  	_ =	shalt  }
0x72: {  	_ =	shalt  }
0x73: {  	_ =	shalt  }
0x74: {  	_ =	shalt  }
0x75: {  	_ =	shalt  }
0x76: {  	_ =	shalt  }
0x77: {  	_ =	shalt  }
0x78: {  	_ =	shalt  }
0x79: {  	_ =	shalt  }
0x7a: {  	_ =	shalt  }
0x7b: {  	_ =	shalt  }
0x7c: {  	_ =	shalt  }
0x7d: {  	_ =	shalt  }
0x7e: {  	_ =	shalt  }
0x7f: {  	_ =	shalt  }
0x80: {  	_ =	shalt  }
0x81: {  	_ =	shalt  }
0x82: {  	_ =	shalt  }
0x83: {  	_ =	shalt  }
0x84: {  	_ =	shalt  }
0x85: {  	_ =	shalt  }
0x86: {  	_ =	shalt  }
0x87: {  	_ =	shalt  }
.Lfunc_end0:
.L_simem_size_0:
called_computation_lowered:
.L_overlay_start_0:
0x88: {  	s2 =	sld [smem:$0x3FD9]  }
0x89: {  	s3 =	sld [smem:$0x3FFE];
	_ =	sdelay $0x1  }
0x8a: {  	s1 =	srdreg.scid  }
0x8b: {  	s0 =	sand.u32 $0x1, s1  }
0x8c: {  	s17 =	sshll.u32 s0, $0xA;
	s2 =	sadd.s32 s3, s2  }
0x8d: {  	s2 =	sadd.s32 s2, s17  }
0x8e: {  	[smem:$0x3FC4] =	sst s2  }
0x8f: {  	_ = 	snop  }
0x90: {  	s2 =	sld [smem:$0x3FC9]  }
0x91: {  	s18 =	sld [smem:$0x3FC8]  }
0x92: {  	s4 =	sld [smem:$0x3FD0];
	(tm) =	ssettm $0x1  }
0x93: {  	s5 =	sld [smem:$0x3FFB];
	_ =	sdelay $0x3  }
0x94: {  	_ =	strace s5  }
0x95: {  	s5 =	sld [smem:$0x3FFC];
	_ =	sdelay $0x3  }
0x96: {  	_ =	strace s5  }
0x97: {  	s5 =	sld [smem:$0x3FFD];
	_ =	sdelay $0x3  }
0x98: {  	_ =	strace s5  }
0x99: {  	_ =	strace $0x8FFFFFFF  }
0x9a: {  	s19 =	sld [smem:$0x3FDB];
	_ =	sdelay $0x1  }
0x9b: {  	s6 =	simm.s32 $_scs_section_size  }
0x9c: {  	s7 =	simm.s32 $_size__tile_overlayer_lowered;
	s8 =	simm.s32 $_tile_overlayer_lowered  }
0x9d: {  	s22 =	simm.s32 $0x1BFF;
	s21 =	sshll.u32 s8, $0x1;
	s5 =	sadd.s32 s6, s19  }
0x9e: {  	s9 =	simm.s32 $0x0;
	s20 =	sshll.u32 s7, $0x1;
	s7 =	sadd.s32 s21, s5  }
0x9f: {  	[timem:s9], [sflag:s22] =	dma.local [hbm:s7], s20  }
0xa0: {  	_ =	swait.ge [sflag:s22], s20  }
0xa1: {  	s6 =	ssub.s32 $0x0, s20;
	[sflag:s22] =	ssyncset.done $0x0  }
0xa2: {  	[sflag:s22] =	ssyncadd.s32 s6;
	_ =	sdelay $0x1  }
0xa3: {  	s23 =	simm.s32 $0x1B8B  }
0xa4: {  	_ =	swait.ge [sflag:s23], $0x1  }
0xa5: {  	[sflag:s23] =	ssyncset.done $0x0  }
0xa6: {  	s25 =	simm.s32 $0x1B8E;
	s24 =	sld [smem:$0x3FFE];
	[sflag:s23] =	ssyncadd.s32 $0xFFFFFFFF  }
0xa7: {  	s26 =	simm.s32 $execute0_lowered;
	[smem:$0x3FD2] =	sst s25  }
0xa8: {  	s7 =	sshll.u32 s26, $0x1;
	_ =	strace $0x80000046;
	[dreg:$0x1] =	wrdreg $0xFFFFFFFF  }
0xa9: {  	s28 =	simm.s32 $_size_execute0_lowered;
	s5 =	sadd.s32 s5, s7;
	[dreg:$0x0] =	wrdreg $0x0  }
0xaa: {  	s7 =	sshll.u32 s28, $0x1;
	[dreg:$0x2] =	wrdreg s5  }
0xab: {  	[dreg:$0x3] =	wrdreg s7  }
0xac: {  	[dreg:$0x4] =	wrdreg $0xC0  }
0xad: {  	_ =	task [dreg:s9], $0x5FFFF  }
0xae: {  	[dreg:$0x1] =	wrdreg $0xFFFFFFFF  }
0xaf: {  	[dreg:$0x0] =	wrdreg $0x60  }
0xb0: {  	[dreg:$0x2] =	wrdreg s2  }
0xb1: {  	[dreg:$0x3] =	wrdreg s18  }
0xb2: {  	[dreg:$0x4] =	wrdreg s24  }
0xb3: {  	[dreg:$0x5] =	wrdreg s4  }
0xb4: {  	[dreg:$0x6] =	wrdreg $0x9  }
0xb5: {  	_ =	task.clear_ibuf [dreg:s9], $0x7FFFF;
	_ =	strace $0x90000046  }
0xb6: {  	s29 =	simm.s32 $0x9;
	_ =	strace $0x80000048  }
0xb7: {  	_ =	swait.ge [sflag:s29], $0x1  }
0xb8: {  	[sflag:s29] =	ssyncadd.s32 $0xFFFFFFFF  }
0xb9: {  	_ =	strace $0x90000048  }
0xba: {  	_ =	sfence  }
0xbb: {  	s30 =	sld [smem:$0x0];
	_ =	sdelay $0x2  }
0xbc: {  	s31 =	sshll.u32 s1, $0xD;
	s1 =	sshrl.u32 s1, $0x2  }
0xbd: {  	s3 =	sand.u32 $0x4000, s31;
	s1 =	sadd.s32 s1, s30  }
0xbe: {  	s0 =	sor.u32 s3, s0;
	s1 =	sshll.u32 s1, $0x11  }
0xbf: {  	s0 =	sor.u32 s1, s0  }
0xc0: {  	s0 =	sadd.s32 $0x8F2B, s0  }
0xc1: {  	[sflag:s0] =	ssyncadd.remote.s32 $0x1  }
0xc2: {  	_ =	sfence.sel $0xFFFF  }
0xc3: {  	[dreg:$0x0] =	wrdreg $0xFFFFFFFF;
	(pc) =	sbr.abs _section_cstart, $3  }
0xc4: {  	[dreg:$0x1] =	wrdreg $0xFFFFFFFF  }
0xc5: {  	_ =	task.clear_ibuf [dreg:s9], $0x2FFFF;
	_ =	strace $0x9FFFFFFF  }
0xc6: {  	(tm) =	ssettm $0x7FFFFFFF  }
0xc7: {  	_ =	shalt  }
tec
execute0_lowered:
.L_overlay_start_1:
0x0: {  	(tag) =	ssettag $0x1  }
0x1: {  	s5 =	rddreg [dreg:$0x0]  }
0x2: {  	v0 =	vimm.s32 $0xEFCDAB89;
	s6 =	rddreg [dreg:$0x1];
	v1 =	vimm.s32 $0x67452301  }
0x3: {  	v2 =	vimm.s32 $0xDCFE98BA;
	s4 =	rddreg [dreg:$0x2];
	v3 =	vimm.s32 $0x54761032;
	v4 =	vimm.s32 $0xBA98FEDC  }
0x4: {  	s7 =	rddreg [dreg:$0x3];
	v5 =	vimm.s32 $0x32107654;
	v6 =	vimm.s32 $0xFEDCBA98;
	v7 =	vimm.s32 $0x76543210  }
0x5: {  	s0 =	rddreg [dreg:$0x4];
	s1 =	simm.s32 $0x0;
	vm0 =	vmmov $0x1;
	vm1 =	vmmov $0x3;
	vm2 =	vmmov $0x7  }
0x6: {  	s8 =	srdreg.scid;
	s2 =	stileid.u32;
	s12 =	simm.s32 $0x400;
	vm3 =	vmmov $0xf;
	vm4 =	vmmov $0x1f;
	vm5 =	vmmov $0x3f  }
0x7: {  	s13 =	simm.s32 $0x8400;
	s14 =	simm.s32 $0x2400;
	s15 =	simm.s32 $0x280;
	v0 =	vunpack.c.l.s4.s8 v0;
	v1 =	vunpack.c.l.s4.s8 v1;
	v2 =	vunpack.c.l.s4.s8 v2  }
0x8: {  	s16 =	simm.s32 $0xA400;
	s17 =	simm.s32 $0x100;
	s18 =	simm.s32 $0x4400;
	v3 =	vunpack.c.l.s4.s8 v3;
	v4 =	vunpack.c.l.s4.s8 v4;
	v5 =	vunpack.c.l.s4.s8 v5  }
0x9: {  	s19 =	simm.s32 $0x300;
	s20 =	simm.s32 $0xC400;
	s21 =	simm.s32 $0x180;
	v6 =	vunpack.c.l.s4.s8 v6;
	v0 =	vunpack.c.0.s8.s32 v0;
	v1 =	vunpack.c.0.s8.s32 v1  }
0xa: {  	s22 =	simm.s32 $0x6400;
	s23 =	simm.s32 $0x380;
	s24 =	simm.s32 $0xE400;
	v7 =	vunpack.c.l.s4.s8 v7;
	v2 =	vunpack.c.0.s8.s32 v2;
	v3 =	vunpack.c.0.s8.s32 v3  }
0xb: {  	s25 =	simm.s32 $0x1;
	s26 =	simm.s32 $0x10400;
	s28 =	simm.s32 $0x0;
	v4 =	vunpack.c.0.s8.s32 v4;
	v5 =	vunpack.c.0.s8.s32 v5;
	v0 =	vcombine.low v1, v0  }
0xc: {  	vm6 =	vmmov $0x7f;
	[smem:$0x7FF] =	sst s1;
	s3 =	sadd.s32 $0xF42800, s4;
	s8 =	sand.u32 $0x1, s8;
	v57 =	vunpack.c.0.s8.s32 v6;
	v2 =	vcombine.low v3, v2  }
0xd: {  	s10 =	sshll.u32 s2, $0x7;
	s4 =	sadd.s32 $0x16E3A00, s4;
	s9 =	ssub.s32 $0x2, s8;
	v59 =	vunpack.c.0.s8.s32 v7;
	v58 =	vcombine.low v5, v4;
	v0 =	vand.u32 $0xF, v0  }
0xe: {  	vm7 =	vmmov $0xff;
	_ =	strace $0x80000047;
	s8 =	sshll.u32 s8, $0x6;
	s11 =	sshrl.u32 s9, $0x1;
	v60 =	vand.u32 $0xF, v57;
	v61 =	vand.u32 $0xF, v2;
	[tilespmem:$0x1FFC0] =	vst v0  }
0xf: {  	vm8 =	vmmov $0x1ff;
	s8 =	sor.u32 s8, s10;
	s10 =	simm.s32 $0x200;
	s9 =	ssub.s32 s9, s11;
	v63 =	vcombine.low v60, v59;
	v62 =	vand.u32 $0xF, v58;
	[tilespmem:$0x1FFD0] =	vst v61  }
0x10: {  	vm9 =	vmmov $0x3ff;
	vm10 =	vmmov $0x7ff;
	vm11 =	vmmov $0xfff;
	s5 =	sadd.s32 s5, s8;
	s6 =	sadd.s32 s6, s8;
	s7 =	sadd.s32 s7, s8;
	[tilespmem:$0x1FFE0] =	vst v62  }
0x11: {  	vm12 =	vmmov $0x1fff;
	vm13 =	vmmov $0x3fff;
	vm14 =	vmmov $0x7fff;
	s11 =	simm.s32 $0x80;
	s8 =	smax.u32 s9, $0x1;
	s9 =	simm.s32 $0x2;
	[tilespmem:$0x1FFF0] =	vst v63  }
.LBB2_1:
0x12: {  	[tilespmem:s1], [sflag:$0x2] =	stream.linear.gather [hbm4b:s5+s1], $0x200, $0x38;
	[tilespmem:$0x10600] =	vst v63  }
0x13: {  	_ =	swait.ge [sflag:s9], $0x200  }
0x14: {  	[sflag:s9] =	ssyncset.done $0x0  }
0x15: {  	[sflag:s9] =	ssyncadd.s32 $0xFFFFFE00  }
0x16: {  	[tilespmem:s10], [sflag:$0x2] =	stream.linear.gather [hbm4b:s6+s1], $0x200, $0x38;
	[tilespmem:$0x10600] =	vst v63  }
0x17: {  	_ =	swait.ge [sflag:s9], $0x200  }
0x18: {  	[sflag:s9] =	ssyncset.done $0x0  }
0x19: {  	[sflag:s9] =	ssyncadd.s32 $0xFFFFFE00  }
0x1a: {  	[tilespmem:s12], [sflag:$0x1] =	stream.indirect.gather [hbm4b:s3+s11], $0x40, s1, s11, $0xb8;
	[tilespmem:$0x10600] =	vst v63  }
0x1b: {  	_ = 	snop  }
0x1c: {  	[tilespmem:s13], [sflag:$0x1] =	stream.indirect.gather [hbm4b:s4+s11], $0x40, s10, s11, $0xb8;
	[tilespmem:$0x10600] =	vst v63  }
0x1d: {  	_ = 	snop  }
0x1e: {  	[tilespmem:s14], [sflag:$0x1] =	stream.indirect.gather [hbm4b:s3+s11], $0x40, s11, s11, $0xb8;
	[tilespmem:$0x10600] =	vst v63  }
0x1f: {  	_ = 	snop  }
0x20: {  	[tilespmem:s16], [sflag:$0x1] =	stream.indirect.gather [hbm4b:s4+s11], $0x40, s15, s11, $0xb8;
	[tilespmem:$0x10600] =	vst v63  }
0x21: {  	_ = 	snop  }
0x22: {  	[tilespmem:s18], [sflag:$0x1] =	stream.indirect.gather [hbm4b:s3+s11], $0x40, s17, s11, $0xb8;
	[tilespmem:$0x10600] =	vst v63  }
0x23: {  	_ = 	snop  }
0x24: {  	[tilespmem:s20], [sflag:$0x1] =	stream.indirect.gather [hbm4b:s4+s11], $0x40, s19, s11, $0xb8;
	[tilespmem:$0x10600] =	vst v63  }
0x25: {  	_ = 	snop  }
0x26: {  	[tilespmem:s22], [sflag:$0x1] =	stream.indirect.gather [hbm4b:s3+s11], $0x40, s21, s11, $0xb8;
	[tilespmem:$0x10600] =	vst v63  }
0x27: {  	_ = 	snop  }
0x28: {  	[tilespmem:s24], [sflag:$0x1] =	stream.indirect.gather [hbm4b:s4+s11], $0x40, s23, s11, $0xb8;
	[tilespmem:$0x10600] =	vst v63  }
0x29: {  	_ =	swait.ge [sflag:s25], $0x2000  }
0x2a: {  	[sflag:s25] =	ssyncset.done $0x0  }
0x2b: {  	[sflag:s25] =	ssyncadd.s32 $0xFFFFE000  }
0x2c: {  	_ =	swait.ge [sflag:s25], $0x2000  }
0x2d: {  	[sflag:s25] =	ssyncset.done $0x0  }
0x2e: {  	[sflag:s25] =	ssyncadd.s32 $0xFFFFE000  }
0x2f: {  	_ =	swait.ge [sflag:s25], $0x2000  }
0x30: {  	[sflag:s25] =	ssyncset.done $0x0  }
0x31: {  	[sflag:s25] =	ssyncadd.s32 $0xFFFFE000  }
0x32: {  	_ =	swait.ge [sflag:s25], $0x2000  }
0x33: {  	[sflag:s25] =	ssyncset.done $0x0  }
0x34: {  	[sflag:s25] =	ssyncadd.s32 $0xFFFFE000  }
0x35: {  	_ =	swait.ge [sflag:s25], $0x2000  }
0x36: {  	[sflag:s25] =	ssyncset.done $0x0  }
0x37: {  	[sflag:s25] =	ssyncadd.s32 $0xFFFFE000  }
0x38: {  	_ =	swait.ge [sflag:s25], $0x2000  }
0x39: {  	[sflag:s25] =	ssyncset.done $0x0  }
0x3a: {  	[sflag:s25] =	ssyncadd.s32 $0xFFFFE000  }
0x3b: {  	_ =	swait.ge [sflag:s25], $0x2000  }
0x3c: {  	[sflag:s25] =	ssyncset.done $0x0  }
0x3d: {  	[sflag:s25] =	ssyncadd.s32 $0xFFFFE000  }
0x3e: {  	_ =	swait.ge [sflag:s25], $0x2000  }
0x3f: {  	[sflag:s25] =	ssyncset.done $0x0  }
0x40: {  	s29 =	simm.s32 $0x0;
	v3 =	vld [tilespmem:$0x1FFE0];
	[sflag:s25] =	ssyncadd.s32 $0xFFFFE000  }
0x41: {  	v4 =	vld [tilespmem:s29+$0x7F0]  }
0x42: {  	v5 =	vld [tilespmem:s29+$0x87F0]  }
0x43: {  	v6 =	vld [tilespmem:s29+$0x7B0]  }
0x44: {  	v7 =	vld [tilespmem:s29+$0x87B0]  }
0x45: {  	v10 =	vld [tilespmem:s29+$0x7E0]  }
0x46: {  	v13 =	vld [tilespmem:s29+$0x87E0]  }
0x47: {  	v15 =	vld [tilespmem:s29+$0x770]  }
0x48: {  	v23 =	vld [tilespmem:s29+$0x8770]  }
0x49: {  	v14 =	vld [tilespmem:s29+$0x7A0]  }
0x4a: {  	v16 =	vld [tilespmem:s29+$0x87A0]  }
0x4b: {  	v24 =	vld [tilespmem:s29+$0x7C0]  }
0x4c: {  	v25 =	vld [tilespmem:s29+$0x87C0]  }
0x4d: {  	v26 =	vld [tilespmem:s29+$0x7D0]  }
0x4e: {  	v27 =	vld [tilespmem:s29+$0x87D0]  }
0x4f: {  	v28 =	vld [tilespmem:s29+$0x730]  }
0x50: {  	v29 =	vld [tilespmem:s29+$0x8730]  }
0x51: {  	v30 =	vld [tilespmem:s29+$0x760]  }
0x52: {  	v31 =	vld [tilespmem:s29+$0x8760]  }
0x53: {  	v32 =	vld [tilespmem:s29+$0x780]  }
0x54: {  	v33 =	vld [tilespmem:s29+$0x8780]  }
0x55: {  	v34 =	vld [tilespmem:s29+$0x790]  }
0x56: {  	v35 =	vld [tilespmem:s29+$0x8790]  }
0x57: {  	v36 =	vld [tilespmem:s29+$0x6F0]  }
0x58: {  	v37 =	vld [tilespmem:s29+$0x86F0]  }
0x59: {  	v38 =	vld [tilespmem:s29+$0x720]  }
0x5a: {  	v39 =	vld [tilespmem:s29+$0x8720]  }
0x5b: {  	v40 =	vld [tilespmem:s29+$0x740]  }
0x5c: {  	v41 =	vld [tilespmem:s29+$0x8740]  }
0x5d: {  	v42 =	vld [tilespmem:s29+$0x750]  }
0x5e: {  	v43 =	vld [tilespmem:s29+$0x8750]  }
0x5f: {  	v0 =	vld [tilespmem:s29+$0x6B0]  }
0x60: {  	v45 =	vld [tilespmem:s29+$0x86B0]  }
0x61: {  	v46 =	vld [tilespmem:s29+$0x6E0]  }
0x62: {  	v47 =	vld [tilespmem:s29+$0x86E0]  }
0x63: {  	v48 =	vld [tilespmem:s29+$0x700]  }
0x64: {  	v49 =	vld [tilespmem:s29+$0x8700]  }
0x65: {  	v50 =	vld [tilespmem:s29+$0x710]  }
0x66: {  	v51 =	vld [tilespmem:s29+$0x8710]  }
0x67: {  	v52 =	vld [tilespmem:s29+$0x670]  }
0x68: {  	v53 =	vld [tilespmem:s29+$0x8670]  }
0x69: {  	v54 =	vld [tilespmem:s29+$0x6A0]  }
0x6a: {  	v55 =	vld [tilespmem:s29+$0x86A0]  }
0x6b: {  	v56 =	vld [tilespmem:s29+$0x6C0]  }
0x6c: {  	v57 =	vld [tilespmem:s29+$0x86C0]  }
0x6d: {  	v58 =	vld [tilespmem:s29+$0x6D0]  }
0x6e: {  	v59 =	vld [tilespmem:s29+$0x86D0]  }
0x6f: {  	v62 =	vld [tilespmem:s29+$0x630]  }
0x70: {  	v63 =	vld [tilespmem:s29+$0x8630]  }
0x71: {  	v60 =	vld [tilespmem:s29+$0x660]  }
0x72: {  	v61 =	vld [tilespmem:s29+$0x8660]  }
0x73: {  	v44 =	vld [tilespmem:s29+$0x690]  }
0x74: {  	v22 =	vld [tilespmem:s29+$0x8690]  }
0x75: {  	v21 =	vld [tilespmem:s29+$0x640]  }
0x76: {  	v19 =	vld [tilespmem:s29+$0x8640]  }
0x77: {  	v20 =	vld [tilespmem:s29+$0x650]  }
0x78: {  	v18 =	vld [tilespmem:s29+$0x8650]  }
0x79: {  	v17 =	vld [tilespmem:s29+$0x600]  }
0x7a: {  	v11 =	vld [tilespmem:s29+$0x8600]  }
0x7b: {  	v12 =	vld [tilespmem:s29+$0x610]  }
0x7c: {  	v9 =	vld [tilespmem:s29+$0x8610]  }
0x7d: {  	v1 =	vld [tilespmem:s29+$0x8570]  }
0x7e: {  	v8 =	vld [tilespmem:s29+$0x5C0]  }
0x7f: {  	[tilespmem:$0x1FE10] =	vst v62;
	v62 =	vld [tilespmem:s29+$0x680]  }
0x80: {  	[tilespmem:$0x1FE20] =	vst v63;
	v63 =	vld [tilespmem:s29+$0x8680]  }
0x81: {  	[tilespmem:$0x1FDC0] =	vst v0;
	v0 =	vld [tilespmem:s29+$0x5F0]  }
0x82: {  	[tilespmem:$0x1FE90] =	vst v1;
	v1 =	vld [tilespmem:s29+$0x5A0]  }
0x83: {  	v6 =	vmul.f32 v7, v6;
	v7 =	vld [tilespmem:s29+$0x85C0]  }
0x84: {  	v4 =	vmul.f32 v5, v4;
	v5 =	vmul.f32 v25, v24;
	v25 =	vld [tilespmem:s29+$0x5D0]  }
0x85: {  	v24 =	vmul.f32 v27, v26;
	v27 =	vld [tilespmem:s29+$0x85D0]  }
0x86: {  	v26 =	vmul.f32 v16, v14;
	v14 =	vmul.f32 v13, v10;
	v10 =	vld [tilespmem:s29+$0x530]  }
0x87: {  	v13 =	vld [tilespmem:s29+$0x8530]  }
0x88: {  	v16 =	vmul.f32 v33, v32;
	v32 =	vmul.f32 v35, v34;
	v34 =	vld [tilespmem:s29+$0x580]  }
0x89: {  	v35 =	vld [tilespmem:s29+$0x8580]  }
0x8a: {  	v28 =	vmul.f32 v29, v28;
	v29 =	vld [tilespmem:s29+$0x8590]  }
0x8b: {  	v33 =	vld [tilespmem:s29+$0x8540]  }
0x8c: {  	v22 =	vmul.f32 v22, v44;
	v44 =	vld [tilespmem:s29+$0x430]  }
0x8d: {  	v18 =	vmul.f32 v18, v20;
	v20 =	vld [tilespmem:s29+$0x8430]  }
0x8e: {  	[tilespmem:$0x1FE30] =	vst v0;
	v0 =	vld [tilespmem:s29+$0x85F0]  }
0x8f: {  	v11 =	vmul.f32 v11, v17;
	v17 =	vld [tilespmem:s29+$0x470]  }
0x90: {  	v30 =	vmul.f32 v31, v30;
	v19 =	vmul.f32 v19, v21;
	v31 =	vadd.f32 v32, v16;
	v16 =	vld [tilespmem:s29+$0x8560]  }
0x91: {  	v32 =	vld [tilespmem:s29+$0x550]  }
0x92: {  	v5 =	vadd.f32 v24, v5;
	v18 =	vadd.f32 v18, v19;
	v19 =	vld [tilespmem:s29+$0x4A0]  }
0x93: {  	v2 =	vmul.f32 v49, v48;
	[tilespmem:$0x1FE40] =	vst v0;
	v0 =	vld [tilespmem:s29+$0x620]  }
0x94: {  	v24 =	vmul.f32 v41, v40;
	v40 =	vmul.f32 v51, v50;
	v5 =	vadd.f32 v14, v5;
	v14 =	vld [tilespmem:s29+$0x560]  }
0x95: {  	v15 =	vmul.f32 v23, v15;
	v23 =	vadd.f32 v26, v31;
	v26 =	vld [tilespmem:s29+$0x590]  }
0x96: {  	v41 =	vadd.f32 v40, v2;
	v2 =	vld [tilespmem:$0x1FFD0]  }
0x97: {  	v40 =	vld [tilespmem:s29+$0x8550]  }
0x98: {  	[tilespmem:$0x1FDD0] =	vst v0;
	v0 =	vld [tilespmem:s29+$0x8620]  }
0x99: {  	v31 =	vmul.f32 v57, v56;
	v56 =	vld [tilespmem:$0x1FDC0]  }
0x9a: {  	[tilespmem:$0x1FE50] =	vst v1;
	v1 =	vld [tilespmem:s29+$0x85A0]  }
0x9b: {  	v7 =	vmul.f32 v7, v8;
	v8 =	vmul.f32 v27, v25;
	v25 =	vld [tilespmem:$0x1FE20]  }
0x9c: {  	v34 =	vmul.f32 v35, v34;
	v35 =	vld [tilespmem:s29+$0x8420]  }
0x9d: {  	[tilespmem:$0x1FDE0] =	vst v0;
	v0 =	vld [tilespmem:s29+$0x5B0]  }
0x9e: {  	v6 =	vadd.f32 v6, v23;
	v23 =	vld [tilespmem:s29+$0x520]  }
0x9f: {  	[tilespmem:$0x1FE60] =	vst v1;
	v1 =	vmul.f32 v43, v42;
	v42 =	vmul.f32 v39, v38;
	v38 =	vld [tilespmem:s29+$0x8520]  }
0xa0: {  	v39 =	vld [tilespmem:s29+$0x540]  }
0xa1: {  	v43 =	vmul.f32 v59, v58;
	v58 =	vmul.f32 v53, v52;
	v52 =	vld [tilespmem:s29+$0x510]  }
0xa2: {  	[tilespmem:$0x1FE70] =	vst v0;
	v0 =	vld [tilespmem:s29+$0x85B0]  }
0xa3: {  	v59 =	vmul.f32 v55, v54;
	v54 =	vld [tilespmem:s29+$0x8510]  }
0xa4: {  	v24 =	vadd.f32 v1, v24;
	v1 =	vld [tilespmem:$0x1FFC0]  }
0xa5: {  	v55 =	vld [tilespmem:$0x1FE50]  }
0xa6: {  	v53 =	vld [tilespmem:s29+$0x8410]  }
0xa7: {  	v4 =	vadd.f32 v4, v5;
	v5 =	vadd.f32 v30, v24;
	[tilespmem:$0x1FE80] =	vst v0;
	v0 =	vld [tilespmem:s29+$0x5E0]  }
0xa8: {  	v9 =	vmul.f32 v9, v12;
	v27 =	vld [tilespmem:$0x1FE40]  }
0xa9: {  	v24 =	vld [tilespmem:s29+$0x4F0];
	v5 =	vadd.f32 v15, v5;
	v15 =	vperm.xlane v4, v1  }
0xaa: {  	v9 =	vadd.f32 v9, v11;
	v30 =	vadd.f32 v42, v41;
	v11 =	vld [tilespmem:$0x1FDD0]  }
0xab: {  	v4 =	vadd.f32 v4, v15;
	v15 =	vadd.f32 v43, v31;
	v31 =	vmul.f32 v47, v46;
	v46 =	vld [tilespmem:s29+$0x500]  }
0xac: {  	v61 =	vmul.f32 v61, v60;
	v28 =	vadd.f32 v28, v30;
	[tilespmem:$0x1FDF0] =	vst v0;
	v0 =	vld [tilespmem:s29+$0x85E0]  }
0xad: {  	v63 =	vmul.f32 v63, v62;
	v43 =	vmul.f32 v45, v56;
	v56 =	vld [tilespmem:$0x1FE60]  }
0xae: {  	v18 =	vadd.f32 v61, v18;
	v49 =	vperm.xlane v28, v1;
	v45 =	vld [tilespmem:s29+$0x490]  }
0xaf: {  	v10 =	vmul.f32 v13, v10;
	v20 =	vmul.f32 v20, v44;
	v12 =	vadd.f32 v22, v63;
	v21 =	vld [tilespmem:$0x1FDE0]  }
0xb0: {  	v26 =	vmul.f32 v29, v26;
	v14 =	vmul.f32 v16, v14;
	v28 =	vadd.f32 v28, v49;
	v49 =	vld [tilespmem:s29+$0x410]  }
0xb1: {  	v7 =	vadd.f32 v8, v7;
	v32 =	vmul.f32 v40, v32;
	v30 =	vperm.xlane v5, v1;
	v8 =	vld [tilespmem:$0x1FDF0];
	[tilespmem:$0x1FE00] =	vst v0  }
0xb2: {  	v26 =	vadd.f32 v26, v34;
	v12 =	vadd.f32 v59, v12;
	v48 =	vperm.xlane v6, v1;
	v22 =	vld [tilespmem:$0x1FE00]  }
0xb3: {  	v5 =	vadd.f32 v5, v30;
	v15 =	vadd.f32 v31, v15;
	v31 =	vmul.f32 v37, v36;
	v37 =	vld [tilespmem:s29+$0x4E0]  }
0xb4: {  	v30 =	vperm.xlane v4, v2;
	v12 =	vadd.f32 v43, v12;
	v43 =	vld [tilespmem:s29+$0x400];
	v11 =	vmul.f32 v21, v11  }
0xb5: {  	v6 =	vadd.f32 v6, v48;
	v50 =	vperm.xlane v5, v2;
	v31 =	vadd.f32 v31, v15;
	v15 =	vld [tilespmem:s29+$0x4B0]  }
0xb6: {  	v4 =	vadd.f32 v4, v30;
	v30 =	vperm.xlane v28, v2;
	v9 =	vadd.f32 v11, v9;
	v11 =	vld [tilespmem:$0x1FE10]  }
0xb7: {  	v51 =	vperm.xlane v6, v2;
	v36 =	vadd.f32 v5, v50;
	v50 =	vld [tilespmem:s29+$0x8500];
	v8 =	vmul.f32 v22, v8  }
0xb8: {  	v18 =	vadd.f32 v58, v18;
	v29 =	vperm.xlane v12, v1;
	v28 =	vadd.f32 v28, v30;
	v30 =	vld [tilespmem:s29+$0x84E0]  }
0xb9: {  	v5 =	vadd.f32 v6, v51;
	v6 =	vperm.xlane v31, v1;
	v7 =	vadd.f32 v8, v7;
	v8 =	vld [tilespmem:$0x1FE30]  }
0xba: {  	v23 =	vmul.f32 v38, v23;
	v34 =	vmul.f32 v56, v55;
	v12 =	vadd.f32 v12, v29;
	v21 =	vld [tilespmem:s29+$0x4C0]  }
0xbb: {  	v41 =	vperm.xlane v4, v3;
	v29 =	vld [tilespmem:$0x1FE70];
	v31 =	vadd.f32 v31, v6;
	v11 =	vmul.f32 v25, v11  }
0xbc: {  	v57 =	vperm.xlane v5, v3;
	v26 =	vadd.f32 v34, v26;
	v61 =	vperm.xlane v12, v2;
	v59 =	vld [tilespmem:$0x1FE80]  }
0xbd: {  	v34 =	vld [tilespmem:s29+$0x8480];
	v4 =	vadd.f32 v4, v41;
	v41 =	vperm.xlane v31, v2;
	v9 =	vadd.f32 v11, v9  }
0xbe: {  	v33 =	vmul.f32 v33, v39;
	v12 =	vadd.f32 v12, v61;
	v61 =	vld [tilespmem:s29+$0x440];
	v8 =	vmul.f32 v27, v8  }
0xbf: {  	v5 =	vadd.f32 v5, v57;
	v31 =	vadd.f32 v31, v41;
	v41 =	vld [tilespmem:s29+$0x8400];
	v57 =	vperm.xlane v9, v1  }
0xc0: {  	v51 =	vmul.f32 v53, v49;
	v42 =	vperm.xlane v36, v3;
	v25 =	vld [tilespmem:s29+$0x4D0];
	v7 =	vadd.f32 v8, v7  }
0xc1: {  	v11 =	vld [tilespmem:s29+$0x420];
	v29 =	vmul.f32 v59, v29;
	v9 =	vadd.f32 v9, v57;
	v8 =	vperm.xlane v18, v1  }
0xc2: {  	v48 =	vperm.xlane v28, v3;
	v59 =	vld [tilespmem:$0x1FE90];
	v58 =	vperm.xlane v7, v1  }
0xc3: {  	v26 =	vadd.f32 v29, v26;
	v0 =	vld [tilespmem:s29+$0x570];
	v29 =	vperm.xlane v9, v2;
	v8 =	vadd.f32 v18, v8  }
0xc4: {  	v6 =	vadd.f32 v36, v42;
	v63 =	vperm.xlane v12, v3;
	v22 =	vld [tilespmem:s29+$0x84C0];
	v7 =	vadd.f32 v7, v58  }
0xc5: {  	v9 =	vadd.f32 v9, v29;
	v29 =	vperm.xlane v31, v3;
	v27 =	vld [tilespmem:s29+$0x84D0];
	v60 =	vperm.xlane v8, v2  }
0xc6: {  	v30 =	vmul.f32 v30, v37;
	v12 =	vadd.f32 v12, v63;
	v63 =	vld [tilespmem:s29+$0x8490];
	v62 =	vperm.xlane v7, v2  }
0xc7: {  	v29 =	vadd.f32 v31, v29;
	v31 =	vld [tilespmem:s29+$0x450];
	v36 =	vadd.f32 v8, v60;
	v8 =	vperm.xlane v26, v1  }
0xc8: {  	v11 =	vmul.f32 v35, v11;
	v55 =	vmul.f32 v59, v0;
	v18 =	vld [tilespmem:s29+$0x480];
	v7 =	vadd.f32 v7, v62  }
0xc9: {  	v21 =	vmul.f32 v22, v21;
	v26 =	vadd.f32 v26, v8;
	v8 =	vadd.f32 v28, v48;
	v28 =	vld [tilespmem:s29+$0x8440]  }
0xca: {  	v22 =	vmul.f32 v27, v25;
	v25 =	vadd.f32 v32, v33;
	v27 =	vmul.f32 v41, v43;
	v62 =	vld [tilespmem:s29+$0x8450]  }
0xcb: {  	v42 =	vld [tilespmem:s29+$0x460];
	v0 =	vmul.f32 v50, v46;
	v13 =	vperm.xlane v7, v3  }
0xcc: {  	v50 =	vld [tilespmem:s29+$0x8460];
	v14 =	vadd.f32 v14, v25;
	v25 =	vmul.f32 v63, v45;
	v27 =	vadd.f32 v51, v27  }
0xcd: {  	v60 =	vperm.xlane v9, v3;
	v16 =	vperm.xlane v26, v2;
	v7 =	vadd.f32 v7, v13;
	v13 =	vld [tilespmem:s29+$0x84A0]  }
0xce: {  	v18 =	vmul.f32 v34, v18;
	v11 =	vadd.f32 v11, v27;
	v48 =	vmul.f32 v54, v52;
	v52 =	vld [tilespmem:s29+$0x8470]  }
0xcf: {  	v16 =	vadd.f32 v26, v16;
	v26 =	vmul.f32 v28, v61;
	v28 =	vmul.f32 v62, v31;
	v31 =	vld [tilespmem:s29+$0x84B0]  }
0xd0: {  	v53 =	vld [tilespmem:s29+$0x84F0];
	v14 =	vadd.f32 v55, v14;
	v47 =	vperm.xlane v36, v3;
	v9 =	vadd.f32 v9, v60  }
0xd1: {  	v18 =	vadd.f32 v25, v18;
	v26 =	vadd.f32 v28, v26;
	v28 =	vmul.f32 v50, v42  }
0xd2: {  	v11 =	vadd.f32 v20, v11;
	v36 =	vadd.f32 v36, v47;
	v13 =	vmul.f32 v13, v19  }
0xd3: {  	v17 =	vmul.f32 v52, v17;
	v19 =	vadd.f32 v22, v21;
	v21 =	vadd.f32 v28, v26  }
0xd4: {  	v54 =	vadd.f32 v48, v0;
	v15 =	vmul.f32 v31, v15;
	v13 =	vadd.f32 v13, v18  }
0xd5: {  	v18 =	vadd.f32 v30, v19;
	v17 =	vadd.f32 v17, v21;
	v19 =	vmul.f32 v53, v24  }
0xd6: {  	v13 =	vadd.f32 v15, v13;
	v15 =	vadd.f32 v23, v54  }
0xd7: {  	v21 =	vperm.xlane v11, v1;
	v22 =	vperm.xlane v17, v1;
	v18 =	vadd.f32 v19, v18  }
0xd8: {  	v20 =	vperm.xlane v16, v3;
	v19 =	vperm.xlane v13, v1;
	v10 =	vadd.f32 v10, v15  }
0xd9: {  	v11 =	vadd.f32 v11, v21;
	v15 =	vadd.f32 v17, v22;
	v17 =	vperm.xlane v18, v1  }
0xda: {  	v21 =	vperm.xlane v14, v1;
	v13 =	vadd.f32 v13, v19;
	v19 =	vperm.xlane v10, v1  }
0xdb: {  	v22 =	vperm.xlane v11, v2;
	v23 =	vperm.xlane v15, v2;
	v17 =	vadd.f32 v18, v17  }
0xdc: {  	v14 =	vadd.f32 v14, v21;
	v18 =	vperm.xlane v13, v2;
	v10 =	vadd.f32 v10, v19  }
0xdd: {  	v11 =	vadd.f32 v11, v22;
	v15 =	vadd.f32 v15, v23;
	v19 =	vperm.xlane v17, v2  }
0xde: {  	v55 =	vld [tilespmem:$0x1FFF0];
	v21 =	vperm.xlane v14, v2;
	v13 =	vadd.f32 v13, v18;
	v18 =	vperm.xlane v10, v2  }
0xdf: {  	v22 =	vperm.xlane v11, v3;
	v23 =	vperm.xlane v15, v3;
	v17 =	vadd.f32 v17, v19  }
0xe0: {  	v14 =	vadd.f32 v14, v21;
	v19 =	vperm.xlane v13, v3;
	v10 =	vadd.f32 v10, v18  }
0xe1: {  	v11 =	vadd.f32 v11, v22;
	v15 =	vadd.f32 v15, v23;
	v18 =	vperm.xlane v17, v3  }
0xe2: {  	v21 =	vperm.xlane v14, v3;
	v13 =	vadd.f32 v13, v19;
	v19 =	vperm.xlane v10, v3  }
0xe3: {  	v22 =	vperm.xlane v11, v55;
	v23 =	vperm.xlane v15, v55;
	v17 =	vadd.f32 v17, v18  }
0xe4: {  	v14 =	vadd.f32 v14, v21;
	v18 =	vperm.xlane v13, v55;
	v10 =	vadd.f32 v10, v19  }
0xe5: {  	v11 =	vadd.f32 v11, v22;
	v15 =	vadd.f32 v15, v23;
	v19 =	vperm.xlane v17, v55  }
0xe6: {  	v16 =	vadd.f32 v16, v20;
	v13 =	vadd.f32 v13, v18;
	v18 =	vperm.xlane v10, v55  }
0xe7: {  	v11 =	vsel vm0, v11, v15;
	v15 =	vadd.f32 v17, v19;
	v17 =	vperm.xlane v14, v55  }
0xe8: {  	v11 =	vsel vm1, v11, v13;
	v10 =	vadd.f32 v10, v18;
	v13 =	vperm.xlane v16, v55  }
0xe9: {  	v14 =	vadd.f32 v14, v17;
	v11 =	vsel vm2, v11, v15;
	v15 =	vperm.xlane v7, v55  }
0xea: {  	v10 =	vsel vm3, v11, v10;
	v11 =	vadd.f32 v16, v13;
	v13 =	vperm.xlane v9, v55  }
0xeb: {  	v10 =	vsel vm4, v10, v14;
	v7 =	vadd.f32 v7, v15;
	v14 =	vperm.xlane v36, v55  }
0xec: {  	v10 =	vsel vm5, v10, v11;
	v9 =	vadd.f32 v9, v13;
	v11 =	vperm.xlane v12, v55  }
0xed: {  	v13 =	vperm.xlane v29, v55;
	v7 =	vsel vm6, v10, v7;
	v10 =	vadd.f32 v36, v14  }
0xee: {  	v7 =	vsel vm7, v7, v9;
	v9 =	vadd.f32 v12, v11;
	v11 =	vperm.xlane v8, v55  }
0xef: {  	v12 =	vperm.xlane v6, v55;
	v7 =	vsel vm8, v7, v10;
	v10 =	vadd.f32 v29, v13  }
0xf0: {  	v7 =	vsel vm9, v7, v9;
	v8 =	vadd.f32 v8, v11;
	v9 =	vperm.xlane v5, v55  }
0xf1: {  	v6 =	vadd.f32 v6, v12;
	v7 =	vsel vm10, v7, v10;
	v10 =	vperm.xlane v4, v55  }
0xf2: {  	v7 =	vsel vm11, v7, v8;
	v5 =	vadd.f32 v5, v9  }
0xf3: {  	v6 =	vsel vm12, v7, v6;
	v4 =	vadd.f32 v4, v10  }
0xf4: {  	v5 =	vsel vm13, v6, v5  }
0xf5: {  	v4 =	vsel vm14, v5, v4  }
0xf6: {  	s29 =	simm.s32 $0x400;
	[tilespmem:s26+$0x0] =	vst v4  }
0xf7: {  	v4 =	vld [tilespmem:s29+$0x7F0]  }
0xf8: {  	v5 =	vld [tilespmem:s29+$0x87F0]  }
0xf9: {  	v6 =	vld [tilespmem:s29+$0x7B0]  }
0xfa: {  	v7 =	vld [tilespmem:s29+$0x87B0]  }
0xfb: {  	v8 =	vld [tilespmem:s29+$0x7E0]  }
0xfc: {  	v12 =	vld [tilespmem:s29+$0x87E0]  }
0xfd: {  	v13 =	vld [tilespmem:s29+$0x770]  }
0xfe: {  	v14 =	vld [tilespmem:s29+$0x8770]  }
0xff: {  	v11 =	vld [tilespmem:s29+$0x7A0]  }
0x100: {  	v15 =	vld [tilespmem:s29+$0x87A0]  }
0x101: {  	v16 =	vld [tilespmem:s29+$0x7C0]  }
0x102: {  	v17 =	vld [tilespmem:s29+$0x87C0]  }
0x103: {  	v18 =	vld [tilespmem:s29+$0x7D0]  }
0x104: {  	v19 =	vld [tilespmem:s29+$0x87D0]  }
0x105: {  	v20 =	vld [tilespmem:s29+$0x730]  }
0x106: {  	v21 =	vld [tilespmem:s29+$0x8730]  }
0x107: {  	v22 =	vld [tilespmem:s29+$0x760]  }
0x108: {  	v9 =	vld [tilespmem:s29+$0x630]  }
0x109: {  	v23 =	vld [tilespmem:s29+$0x8760]  }
0x10a: {  	v27 =	vld [tilespmem:s29+$0x780]  }
0x10b: {  	v29 =	vld [tilespmem:s29+$0x8780]  }
0x10c: {  	v33 =	vld [tilespmem:s29+$0x790]  }
0x10d: {  	[tilespmem:$0x1FF20] =	vst v9;
	v9 =	vld [tilespmem:s29+$0x8630]  }
0x10e: {  	v34 =	vld [tilespmem:s29+$0x8790]  }
0x10f: {  	v56 =	vld [tilespmem:s29+$0x6F0]  }
0x110: {  	v45 =	vld [tilespmem:s29+$0x86F0]  }
0x111: {  	v39 =	vld [tilespmem:s29+$0x720]  }
0x112: {  	[tilespmem:$0x1FF30] =	vst v9;
	v9 =	vld [tilespmem:s29+$0x690]  }
0x113: {  	v40 =	vld [tilespmem:s29+$0x8720]  }
0x114: {  	v26 =	vld [tilespmem:s29+$0x740]  }
0x115: {  	v41 =	vld [tilespmem:s29+$0x8740]  }
0x116: {  	v42 =	vld [tilespmem:s29+$0x750]  }
0x117: {  	[tilespmem:$0x1FED0] =	vst v9;
	v9 =	vld [tilespmem:s29+$0x5F0]  }
0x118: {  	v43 =	vld [tilespmem:s29+$0x8750]  }
0x119: {  	v57 =	vld [tilespmem:s29+$0x6B0]  }
0x11a: {  	v58 =	vld [tilespmem:s29+$0x86B0]  }
0x11b: {  	v46 =	vld [tilespmem:s29+$0x6E0]  }
0x11c: {  	[tilespmem:$0x1FF40] =	vst v9;
	v9 =	vld [tilespmem:s29+$0x85F0]  }
0x11d: {  	v47 =	vld [tilespmem:s29+$0x86E0]  }
0x11e: {  	v48 =	vld [tilespmem:s29+$0x700]  }
0x11f: {  	v49 =	vld [tilespmem:s29+$0x8700]  }
0x120: {  	v50 =	vld [tilespmem:s29+$0x710]  }
0x121: {  	[tilespmem:$0x1FF50] =	vst v9;
	v9 =	vld [tilespmem:s29+$0x620]  }
0x122: {  	v51 =	vld [tilespmem:s29+$0x8710]  }
0x123: {  	v52 =	vld [tilespmem:s29+$0x670]  }
0x124: {  	v53 =	vld [tilespmem:s29+$0x8670]  }
0x125: {  	v54 =	vld [tilespmem:s29+$0x6A0]  }
0x126: {  	[tilespmem:$0x1FEE0] =	vst v9;
	v9 =	vld [tilespmem:s29+$0x8620]  }
0x127: {  	v55 =	vld [tilespmem:s29+$0x86A0]  }
0x128: {  	v0 =	vld [tilespmem:s29+$0x86C0]  }
0x129: {  	v59 =	vld [tilespmem:s29+$0x86D0]  }
0x12a: {  	v60 =	vld [tilespmem:s29+$0x660]  }
0x12b: {  	[tilespmem:$0x1FEF0] =	vst v9;
	v9 =	vld [tilespmem:s29+$0x5B0]  }
0x12c: {  	v61 =	vld [tilespmem:s29+$0x8660]  }
0x12d: {  	v62 =	vld [tilespmem:s29+$0x680]  }
0x12e: {  	v63 =	vld [tilespmem:s29+$0x8680]  }
0x12f: {  	v44 =	vld [tilespmem:s29+$0x8690]  }
0x130: {  	[tilespmem:$0x1FF80] =	vst v9;
	v9 =	vld [tilespmem:s29+$0x85B0]  }
0x131: {  	v38 =	vld [tilespmem:s29+$0x640]  }
0x132: {  	v37 =	vld [tilespmem:s29+$0x8640]  }
0x133: {  	v36 =	vld [tilespmem:s29+$0x650]  }
0x134: {  	v35 =	vld [tilespmem:s29+$0x8650]  }
0x135: {  	[tilespmem:$0x1FF90] =	vst v9;
	v9 =	vld [tilespmem:s29+$0x5E0]  }
0x136: {  	v32 =	vld [tilespmem:s29+$0x600]  }
0x137: {  	v31 =	vld [tilespmem:s29+$0x8600]  }
0x138: {  	v30 =	vld [tilespmem:s29+$0x610]  }
0x139: {  	v28 =	vld [tilespmem:s29+$0x8610]  }
0x13a: {  	[tilespmem:$0x1FF00] =	vst v9;
	v9 =	vld [tilespmem:s29+$0x85E0]  }
0x13b: {  	v25 =	vld [tilespmem:s29+$0x5C0]  }
0x13c: {  	v24 =	vld [tilespmem:s29+$0x85C0]  }
0x13d: {  	v10 =	vld [tilespmem:s29+$0x5D0];
	v6 =	vmul.f32 v7, v6  }
0x13e: {  	[tilespmem:$0x1FEA0] =	vst v56;
	v56 =	vld [tilespmem:s29+$0x6C0];
	v4 =	vmul.f32 v5, v4;
	v5 =	vmul.f32 v17, v16  }
0x13f: {  	v7 =	vmul.f32 v19, v18;
	v15 =	vmul.f32 v15, v11;
	[tilespmem:$0x1FF10] =	vst v9;
	v9 =	vld [tilespmem:s29+$0x570]  }
0x140: {  	[tilespmem:$0x1FEC0] =	vst v58;
	v58 =	vld [tilespmem:s29+$0x6D0];
	v16 =	vmul.f32 v41, v26;
	v17 =	vmul.f32 v43, v42  }
0x141: {  	v11 =	vld [tilespmem:s29+$0x530];
	v8 =	vmul.f32 v12, v8;
	v12 =	vmul.f32 v29, v27;
	v5 =	vadd.f32 v7, v5  }
0x142: {  	v26 =	vld [tilespmem:s29+$0x8530];
	v7 =	vmul.f32 v34, v33;
	v16 =	vadd.f32 v17, v16;
	v17 =	vmul.f32 v23, v22  }
0x143: {  	v27 =	vld [tilespmem:s29+$0x560];
	v18 =	vmul.f32 v49, v48;
	v19 =	vmul.f32 v51, v50;
	v5 =	vadd.f32 v8, v5  }
0x144: {  	v7 =	vadd.f32 v7, v12;
	v8 =	vadd.f32 v17, v16;
	[tilespmem:$0x1FFA0] =	vst v9;
	v9 =	vld [tilespmem:s29+$0x8570]  }
0x145: {  	v29 =	vld [tilespmem:s29+$0x8560];
	v12 =	vmul.f32 v14, v13;
	v13 =	vadd.f32 v19, v18;
	v14 =	vmul.f32 v40, v39  }
0x146: {  	v41 =	vld [tilespmem:s29+$0x580];
	v4 =	vadd.f32 v4, v5;
	v5 =	vadd.f32 v15, v7  }
0x147: {  	v15 =	vmul.f32 v21, v20;
	v8 =	vadd.f32 v12, v8;
	v12 =	vadd.f32 v14, v13;
	v7 =	vld [tilespmem:$0x1FEA0]  }
0x148: {  	v42 =	vld [tilespmem:s29+$0x8580];
	v13 =	vmul.f32 v0, v56;
	v14 =	vmul.f32 v59, v58;
	v5 =	vadd.f32 v6, v5  }
0x149: {  	v6 =	vperm.xlane v4, v1;
	v16 =	vperm.xlane v8, v1;
	v15 =	vadd.f32 v15, v12;
	[tilespmem:$0x1FFB0] =	vst v9;
	v9 =	vld [tilespmem:s29+$0x5A0]  }
0x14a: {  	[tilespmem:$0x1FEB0] =	vst v57;
	v57 =	vld [tilespmem:s29+$0x4F0];
	v12 =	vadd.f32 v14, v13;
	v13 =	vmul.f32 v47, v46  }
0x14b: {  	v43 =	vld [tilespmem:s29+$0x520];
	v4 =	vadd.f32 v4, v6;
	v6 =	vadd.f32 v8, v16;
	v8 =	vperm.xlane v15, v1  }
0x14c: {  	v14 =	vperm.xlane v5, v1;
	v16 =	vmul.f32 v45, v7;
	v7 =	vld [tilespmem:$0x1FEB0]  }
0x14d: {  	v18 =	vadd.f32 v15, v8;
	v8 =	vld [tilespmem:$0x1FEC0]  }
0x14e: {  	v13 =	vadd.f32 v13, v12;
	v5 =	vadd.f32 v5, v14;
	v14 =	vperm.xlane v4, v2;
	[tilespmem:$0x1FF60] =	vst v9;
	v9 =	vld [tilespmem:s29+$0x85A0]  }
0x14f: {  	v48 =	vld [tilespmem:s29+$0x8520];
	v54 =	vmul.f32 v55, v54;
	v55 =	vmul.f32 v61, v60  }
0x150: {  	v60 =	vld [tilespmem:s29+$0x420];
	v19 =	vadd.f32 v16, v13;
	v4 =	vadd.f32 v4, v14;
	v14 =	vperm.xlane v5, v2  }
0x151: {  	v35 =	vmul.f32 v35, v36;
	v36 =	vld [tilespmem:s29+$0x480]  }
0x152: {  	v5 =	vadd.f32 v5, v14;
	v14 =	vperm.xlane v19, v1;
	v59 =	vmul.f32 v8, v7;
	v7 =	vld [tilespmem:$0x1FED0]  }
0x153: {  	v16 =	vperm.xlane v18, v2;
	[tilespmem:$0x1FF70] =	vst v9;
	v9 =	vld [tilespmem:s29+$0x85D0]  }
0x154: {  	v22 =	vld [tilespmem:s29+$0x430];
	v15 =	vperm.xlane v6, v2;
	v47 =	vadd.f32 v19, v14;
	v14 =	vperm.xlane v5, v3  }
0x155: {  	v23 =	vmul.f32 v63, v62;
	v63 =	vld [tilespmem:s29+$0x8430];
	v49 =	vadd.f32 v18, v16;
	v18 =	vperm.xlane v4, v3  }
0x156: {  	v33 =	vld [tilespmem:s29+$0x4C0];
	v6 =	vadd.f32 v6, v15;
	v5 =	vadd.f32 v5, v14;
	v14 =	vmul.f32 v37, v38  }
0x157: {  	v4 =	vadd.f32 v4, v18;
	v44 =	vmul.f32 v44, v7;
	v7 =	vld [tilespmem:$0x1FEE0]  }
0x158: {  	v18 =	vperm.xlane v6, v3;
	v9 =	vmul.f32 v9, v10;
	v10 =	vadd.f32 v35, v14;
	v14 =	vld [tilespmem:$0x1FEF0]  }
0x159: {  	v34 =	vld [tilespmem:s29+$0x4D0]  }
0x15a: {  	v28 =	vmul.f32 v28, v30;
	v39 =	vld [tilespmem:s29+$0x590];
	v6 =	vadd.f32 v6, v18;
	v18 =	vmul.f32 v31, v32  }
0x15b: {  	v40 =	vld [tilespmem:s29+$0x8590]  }
0x15c: {  	v24 =	vmul.f32 v24, v25;
	v25 =	vadd.f32 v28, v18;
	v18 =	vld [tilespmem:$0x1FF10]  }
0x15d: {  	v28 =	vmul.f32 v14, v7;
	v7 =	vld [tilespmem:$0x1FF00]  }
0x15e: {  	v17 =	vld [tilespmem:s29+$0x84E0]  }
0x15f: {  	v0 =	vld [tilespmem:s29+$0x540]  }
0x160: {  	v58 =	vld [tilespmem:s29+$0x8540]  }
0x161: {  	v30 =	vadd.f32 v44, v23;
	v23 =	vld [tilespmem:$0x1FF30]  }
0x162: {  	v9 =	vadd.f32 v9, v24;
	v24 =	vmul.f32 v18, v7;
	v7 =	vld [tilespmem:$0x1FF20]  }
0x163: {  	v20 =	vld [tilespmem:s29+$0x510]  }
0x164: {  	v21 =	vld [tilespmem:s29+$0x8510]  }
0x165: {  	v40 =	vmul.f32 v40, v39;
	v39 =	vld [tilespmem:s29+$0x8420]  }
0x166: {  	v12 =	vld [tilespmem:s29+$0x550]  }
0x167: {  	v25 =	vadd.f32 v28, v25;
	v28 =	vmul.f32 v23, v7;
	v7 =	vld [tilespmem:$0x1FF40]  }
0x168: {  	v23 =	vld [tilespmem:$0x1FF50]  }
0x169: {  	v13 =	vld [tilespmem:s29+$0x8550]  }
0x16a: {  	v15 =	vld [tilespmem:s29+$0x4E0]  }
0x16b: {  	v16 =	vld [tilespmem:s29+$0x500]  }
0x16c: {  	v8 =	vld [tilespmem:s29+$0x4B0]  }
0x16d: {  	v38 =	vperm.xlane v47, v2;
	v9 =	vadd.f32 v24, v9;
	v24 =	vmul.f32 v23, v7;
	v7 =	vld [tilespmem:$0x1FF60]  }
0x16e: {  	v23 =	vld [tilespmem:$0x1FF70]  }
0x16f: {  	v19 =	vld [tilespmem:s29+$0x8500];
	v38 =	vadd.f32 v47, v38  }
0x170: {  	v53 =	vmul.f32 v53, v52;
	v47 =	vld [tilespmem:s29+$0x8410];
	v30 =	vadd.f32 v54, v30;
	v10 =	vadd.f32 v55, v10  }
0x171: {  	v44 =	vld [tilespmem:s29+$0x410]  }
0x172: {  	v56 =	vadd.f32 v59, v30;
	v30 =	vld [tilespmem:s29+$0x84D0];
	v10 =	vadd.f32 v53, v10  }
0x173: {  	v62 =	vmul.f32 v23, v7;
	v7 =	vld [tilespmem:$0x1FF80]  }
0x174: {  	v9 =	vadd.f32 v24, v9;
	v24 =	vperm.xlane v10, v1;
	v23 =	vld [tilespmem:$0x1FF90]  }
0x175: {  	v59 =	vmul.f32 v42, v41;
	v41 =	vld [tilespmem:s29+$0x8400];
	v28 =	vadd.f32 v28, v25  }
0x176: {  	v42 =	vld [tilespmem:s29+$0x400];
	v61 =	vperm.xlane v56, v1;
	v51 =	vperm.xlane v9, v1;
	v10 =	vadd.f32 v10, v24  }
0x177: {  	v26 =	vmul.f32 v26, v11;
	v37 =	vadd.f32 v40, v59;
	v40 =	vld [tilespmem:s29+$0x490];
	v50 =	vperm.xlane v28, v1  }
0x178: {  	v35 =	vld [tilespmem:s29+$0x84C0];
	v24 =	vadd.f32 v56, v61;
	v9 =	vadd.f32 v9, v51;
	v54 =	vperm.xlane v10, v2  }
0x179: {  	v14 =	vld [tilespmem:s29+$0x470];
	v28 =	vadd.f32 v28, v50;
	v52 =	vadd.f32 v62, v37;
	v53 =	vmul.f32 v23, v7  }
0x17a: {  	v61 =	vld [tilespmem:$0x1FFA0];
	v55 =	vperm.xlane v24, v2;
	v59 =	vperm.xlane v9, v2;
	v51 =	vadd.f32 v10, v54  }
0x17b: {  	v32 =	vperm.xlane v49, v3;
	v56 =	vperm.xlane v28, v2;
	v7 =	vld [tilespmem:$0x1FFB0];
	v45 =	vadd.f32 v53, v52  }
0x17c: {  	v18 =	vld [tilespmem:s29+$0x4A0];
	v50 =	vadd.f32 v9, v59;
	v54 =	vperm.xlane v51, v3;
	v53 =	vadd.f32 v24, v55  }
0x17d: {  	v25 =	vld [tilespmem:s29+$0x460];
	v52 =	vadd.f32 v28, v56;
	v55 =	vperm.xlane v38, v3;
	v10 =	vperm.xlane v45, v1  }
0x17e: {  	v37 =	vld [tilespmem:s29+$0x8480];
	v9 =	vadd.f32 v49, v32;
	v28 =	vmul.f32 v29, v27;
	v27 =	vmul.f32 v48, v43  }
0x17f: {  	v49 =	vld [tilespmem:s29+$0x440];
	v62 =	vperm.xlane v53, v3;
	v56 =	vperm.xlane v52, v3;
	v46 =	vadd.f32 v45, v10  }
0x180: {  	v29 =	vld [tilespmem:s29+$0x8440];
	v24 =	vmul.f32 v7, v61;
	v10 =	vadd.f32 v38, v55;
	v55 =	vperm.xlane v50, v3  }
0x181: {  	s31 =	simm.s32 $0x2000;
	s30 =	simm.s32 $0x10400;
	v38 =	vmul.f32 v58, v0;
	v11 =	vadd.f32 v53, v62;
	v53 =	vld [tilespmem:s29+$0x450];
	v32 =	vperm.xlane v46, v2  }
.LBB2_2:
0x182: {  	v43 =	vld [tilespmem:s29+$0x8450];
	v15 =	vmul.f32 v17, v15  }
0x183: {  	v45 =	vld [tilespmem:s29+$0x8490];
	v1 =	vadd.f32 v50, v55;
	v17 =	vmul.f32 v13, v12;
	v16 =	vmul.f32 v19, v16  }
0x184: {  	v0 =	vadd.f32 v46, v32;
	v19 =	vmul.f32 v21, v20;
	v20 =	vmul.f32 v63, v22  }
0x185: {  	v12 =	vadd.f32 v51, v54;
	v21 =	vld [tilespmem:s29+$0x8460];
	v22 =	vmul.f32 v35, v33;
	v31 =	vmul.f32 v39, v60  }
0x186: {  	v62 =	vld [tilespmem:s29+$0x84A0];
	v13 =	vadd.f32 v52, v56;
	v30 =	vmul.f32 v30, v34;
	v63 =	vmul.f32 v41, v42  }
0x187: {  	v44 =	vmul.f32 v47, v44;
	v47 =	vld [tilespmem:s29+$0x8470];
	v29 =	vmul.f32 v29, v49;
	v17 =	vadd.f32 v17, v38  }
0x188: {  	v49 =	vld [tilespmem:s29+$0x84B0];
	v48 =	vmul.f32 v43, v53;
	v50 =	vmul.f32 v45, v40;
	v16 =	vadd.f32 v19, v16  }
0x189: {  	v51 =	vld [tilespmem:s29+$0x84F0];
	v19 =	vadd.f32 v44, v63;
	v17 =	vadd.f32 v28, v17;
	v28 =	vmul.f32 v37, v36  }
0x18a: {  	v22 =	vadd.f32 v30, v22;
	v29 =	vadd.f32 v48, v29;
	v21 =	vmul.f32 v21, v25  }
0x18b: {  	v23 =	vld [tilespmem:$0x1FFC0];
	v18 =	vmul.f32 v62, v18;
	v19 =	vadd.f32 v31, v19;
	v25 =	vadd.f32 v50, v28  }
0x18c: {  	v32 =	vld [tilespmem:$0x1FFE0];
	v15 =	vadd.f32 v15, v22;
	v14 =	vmul.f32 v47, v14;
	v21 =	vadd.f32 v21, v29  }
0x18d: {  	v16 =	vadd.f32 v27, v16;
	v8 =	vmul.f32 v49, v8;
	v18 =	vadd.f32 v18, v25  }
0x18e: {  	v7 =	vmul.f32 v51, v57;
	v19 =	vadd.f32 v20, v19;
	v14 =	vadd.f32 v14, v21  }
0x18f: {  	v31 =	vld [tilespmem:$0x1FFD0];
	v16 =	vadd.f32 v26, v16;
	v8 =	vadd.f32 v8, v18  }
0x190: {  	v7 =	vadd.f32 v7, v15;
	v20 =	vperm.xlane v19, v23;
	v21 =	vperm.xlane v14, v23  }
0x191: {  	v17 =	vadd.f32 v24, v17;
	v18 =	vperm.xlane v0, v32;
	v15 =	vperm.xlane v8, v23  }
0x192: {  	v19 =	vadd.f32 v19, v20;
	v20 =	vperm.xlane v7, v23;
	v14 =	vadd.f32 v14, v21  }
0x193: {  	v21 =	vperm.xlane v17, v23;
	v8 =	vadd.f32 v8, v15;
	v15 =	vperm.xlane v16, v23  }
0x194: {  	v22 =	vperm.xlane v19, v31;
	v7 =	vadd.f32 v7, v20;
	v24 =	vperm.xlane v14, v31  }
0x195: {  	v20 =	vperm.xlane v8, v31;
	v15 =	vadd.f32 v16, v15;
	v16 =	vadd.f32 v17, v21  }
0x196: {  	v17 =	vadd.f32 v19, v22;
	v19 =	vperm.xlane v7, v31;
	v14 =	vadd.f32 v14, v24  }
0x197: {  	v2 =	vld [tilespmem:$0x1FFF0];
	v8 =	vadd.f32 v8, v20;
	v20 =	vperm.xlane v15, v31;
	v21 =	vperm.xlane v16, v31  }
0x198: {  	v22 =	vperm.xlane v17, v32;
	v7 =	vadd.f32 v7, v19;
	v24 =	vperm.xlane v14, v32  }
0x199: {  	v19 =	vperm.xlane v8, v32;
	v15 =	vadd.f32 v15, v20;
	v16 =	vadd.f32 v16, v21  }
0x19a: {  	v17 =	vadd.f32 v17, v22;
	v20 =	vperm.xlane v7, v32;
	v14 =	vadd.f32 v14, v24  }
0x19b: {  	v8 =	vadd.f32 v8, v19;
	v19 =	vperm.xlane v15, v32;
	v21 =	vperm.xlane v16, v32  }
0x19c: {  	v22 =	vperm.xlane v17, v2;
	v7 =	vadd.f32 v7, v20;
	v24 =	vperm.xlane v14, v2  }
0x19d: {  	v20 =	vperm.xlane v8, v2;
	v15 =	vadd.f32 v15, v19;
	v16 =	vadd.f32 v16, v21  }
0x19e: {  	v17 =	vadd.f32 v17, v22;
	v19 =	vperm.xlane v7, v2;
	v14 =	vadd.f32 v14, v24  }
0x19f: {  	v18 =	vadd.f32 v0, v18;
	v8 =	vadd.f32 v8, v20;
	v20 =	vperm.xlane v15, v2  }
0x1a0: {  	v7 =	vadd.f32 v7, v19;
	v14 =	vsel vm0, v17, v14;
	v17 =	vperm.xlane v16, v2  }
0x1a1: {  	v8 =	vsel vm1, v14, v8;
	v14 =	vadd.f32 v15, v20;
	v15 =	vperm.xlane v18, v2  }
0x1a2: {  	v7 =	vsel vm2, v8, v7;
	v8 =	vadd.f32 v16, v17;
	v16 =	vperm.xlane v1, v2  }
0x1a3: {  	v7 =	vsel vm3, v7, v14;
	v14 =	vadd.f32 v18, v15;
	v15 =	vperm.xlane v13, v2  }
0x1a4: {  	v7 =	vsel vm4, v7, v8;
	v8 =	vadd.f32 v1, v16;
	v16 =	vperm.xlane v12, v2  }
0x1a5: {  	v7 =	vsel vm5, v7, v14;
	v13 =	vadd.f32 v13, v15;
	v14 =	vperm.xlane v11, v2  }
0x1a6: {  	v7 =	vsel vm6, v7, v8;
	v8 =	vadd.f32 v12, v16;
	v12 =	vperm.xlane v10, v2  }
0x1a7: {  	v7 =	vsel vm7, v7, v13;
	v11 =	vadd.f32 v11, v14;
	v13 =	vperm.xlane v9, v2  }
0x1a8: {  	v7 =	vsel vm8, v7, v8;
	v8 =	vadd.f32 v10, v12;
	v10 =	vperm.xlane v6, v2  }
0x1a9: {  	v7 =	vsel vm9, v7, v11;
	v9 =	vadd.f32 v9, v13;
	v11 =	vperm.xlane v5, v2  }
0x1aa: {  	v7 =	vsel vm10, v7, v8;
	v6 =	vadd.f32 v6, v10;
	v8 =	vperm.xlane v4, v2  }
0x1ab: {  	v7 =	vsel vm11, v7, v9;
	v5 =	vadd.f32 v5, v11  }
0x1ac: {  	v6 =	vsel vm12, v7, v6;
	v4 =	vadd.f32 v4, v8  }
0x1ad: {  	v5 =	vsel vm13, v6, v5  }
0x1ae: {  	s30 =	sadd.s32 $0x10, s30;
	v4 =	vsel vm14, v5, v4  }
0x1af: {  	s29 =	sshra.s32 s31, $0x2;
	[tilespmem:s30+$0x0] =	vst v4  }
0x1b0: {  	v17 =	vld [tilespmem:s29+$0x7F0]  }
0x1b1: {  	v27 =	vld [tilespmem:s29+$0x87F0]  }
0x1b2: {  	v28 =	vld [tilespmem:s29+$0x7B0]  }
0x1b3: {  	v29 =	vld [tilespmem:s29+$0x87B0]  }
0x1b4: {  	v16 =	vld [tilespmem:s29+$0x7E0]  }
0x1b5: {  	v19 =	vld [tilespmem:s29+$0x87E0]  }
0x1b6: {  	v52 =	vld [tilespmem:s29+$0x770]  }
0x1b7: {  	v24 =	vld [tilespmem:s29+$0x8770]  }
0x1b8: {  	v15 =	vld [tilespmem:s29+$0x7A0]  }
0x1b9: {  	v51 =	vld [tilespmem:s29+$0x87A0]  }
0x1ba: {  	v57 =	vld [tilespmem:s29+$0x7C0]  }
0x1bb: {  	v59 =	vld [tilespmem:s29+$0x87C0]  }
0x1bc: {  	v60 =	vld [tilespmem:s29+$0x7D0]  }
0x1bd: {  	v61 =	vld [tilespmem:s29+$0x87D0]  }
0x1be: {  	v25 =	vld [tilespmem:s29+$0x730]  }
0x1bf: {  	v20 =	vld [tilespmem:s29+$0x8730]  }
0x1c0: {  	v38 =	vld [tilespmem:s29+$0x760]  }
0x1c1: {  	v43 =	vld [tilespmem:s29+$0x8760]  }
0x1c2: {  	v63 =	vld [tilespmem:s29+$0x780]  }
0x1c3: {  	v14 =	vld [tilespmem:s29+$0x8780]  }
0x1c4: {  	v13 =	vld [tilespmem:s29+$0x790]  }
0x1c5: {  	v12 =	vld [tilespmem:s29+$0x8790]  }
0x1c6: {  	v53 =	vld [tilespmem:s29+$0x6F0]  }
0x1c7: {  	v54 =	vld [tilespmem:s29+$0x86F0]  }
0x1c8: {  	v56 =	vld [tilespmem:s29+$0x720]  }
0x1c9: {  	v58 =	vld [tilespmem:s29+$0x8720]  }
0x1ca: {  	v10 =	vld [tilespmem:s29+$0x740]  }
0x1cb: {  	v8 =	vld [tilespmem:s29+$0x8740]  }
0x1cc: {  	v6 =	vld [tilespmem:s29+$0x750]  }
0x1cd: {  	v4 =	vld [tilespmem:s29+$0x8750]  }
0x1ce: {  	v55 =	vld [tilespmem:s29+$0x6B0]  }
0x1cf: {  	v62 =	vld [tilespmem:s29+$0x86B0]  }
0x1d0: {  	v45 =	vld [tilespmem:s29+$0x6E0]  }
0x1d1: {  	v48 =	vld [tilespmem:s29+$0x86E0]  }
0x1d2: {  	v3 =	vld [tilespmem:s29+$0x700]  }
0x1d3: {  	v2 =	vld [tilespmem:s29+$0x8700]  }
0x1d4: {  	v1 =	vld [tilespmem:s29+$0x710]  }
0x1d5: {  	v0 =	vld [tilespmem:s29+$0x8710]  }
0x1d6: {  	v5 =	vld [tilespmem:s29+$0x670]  }
0x1d7: {  	v26 =	vld [tilespmem:s29+$0x8670]  }
0x1d8: {  	v30 =	vld [tilespmem:s29+$0x86A0]  }
0x1d9: {  	v11 =	vld [tilespmem:s29+$0x6C0]  }
0x1da: {  	v9 =	vld [tilespmem:s29+$0x86C0]  }
0x1db: {  	v7 =	vld [tilespmem:s29+$0x6D0]  }
0x1dc: {  	v18 =	vld [tilespmem:s29+$0x630]  }
0x1dd: {  	v21 =	vld [tilespmem:s29+$0x660]  }
0x1de: {  	v40 =	vld [tilespmem:s29+$0x8660]  }
0x1df: {  	v22 =	vld [tilespmem:s29+$0x680]  }
0x1e0: {  	v39 =	vld [tilespmem:s29+$0x8680]  }
0x1e1: {  	v41 =	vld [tilespmem:s29+$0x690]  }
0x1e2: {  	v44 =	vld [tilespmem:s29+$0x8690]  }
0x1e3: {  	v33 =	vld [tilespmem:s29+$0x620]  }
0x1e4: {  	v34 =	vld [tilespmem:s29+$0x8620]  }
0x1e5: {  	v46 =	vld [tilespmem:s29+$0x640]  }
0x1e6: {  	v47 =	vld [tilespmem:s29+$0x8640]  }
0x1e7: {  	v49 =	vld [tilespmem:s29+$0x650]  }
0x1e8: {  	v50 =	vld [tilespmem:s29+$0x8650]  }
0x1e9: {  	v35 =	vld [tilespmem:s29+$0x5E0]  }
0x1ea: {  	v42 =	vld [tilespmem:s29+$0x85E0]  }
0x1eb: {  	v36 =	vld [tilespmem:s29+$0x5A0]  }
0x1ec: {  	v37 =	vld [tilespmem:s29+$0x85A0]  }
0x1ed: {  	[tilespmem:$0x1FD00] =	vst v5;
	v5 =	vld [tilespmem:s29+$0x6A0]  }
0x1ee: {  	[tilespmem:$0x1FD20] =	vst v18;
	v18 =	vld [tilespmem:s29+$0x8630]  }
0x1ef: {  	[tilespmem:$0x1FCB0] =	vst v52;
	v52 =	vld [tilespmem:s29+$0x600]  }
0x1f0: {  	[tilespmem:$0x1FCC0] =	vst v53;
	v53 =	vld [tilespmem:s29+$0x8600]  }
0x1f1: {  	[tilespmem:$0x1FCD0] =	vst v54;
	v54 =	vld [tilespmem:s29+$0x610]  }
0x1f2: {  	[tilespmem:$0x1FCE0] =	vst v55;
	v55 =	vld [tilespmem:s29+$0x8610];
	v8 =	vmul.f32 v8, v10;
	v4 =	vmul.f32 v4, v6  }
0x1f3: {  	[tilespmem:$0x1FCF0] =	vst v62;
	v62 =	vld [tilespmem:s29+$0x5C0];
	v17 =	vmul.f32 v27, v17  }
0x1f4: {  	v27 =	vld [tilespmem:s29+$0x5D0];
	v2 =	vmul.f32 v2, v3;
	v3 =	vadd.f32 v4, v8;
	v4 =	vmul.f32 v43, v38  }
0x1f5: {  	v28 =	vmul.f32 v29, v28;
	v6 =	vld [tilespmem:s29+$0x560]  }
0x1f6: {  	v29 =	vmul.f32 v59, v57;
	v59 =	vmul.f32 v61, v60;
	v3 =	vadd.f32 v4, v3;
	v4 =	vld [tilespmem:$0x1FCB0]  }
0x1f7: {  	v16 =	vmul.f32 v19, v16;
	[tilespmem:$0x1FD30] =	vst v18;
	v18 =	vld [tilespmem:s29+$0x5F0]  }
0x1f8: {  	v14 =	vmul.f32 v14, v63;
	v12 =	vmul.f32 v12, v13;
	v13 =	vadd.f32 v59, v29;
	[tilespmem:$0x1FD10] =	vst v5;
	v5 =	vld [tilespmem:s29+$0x86D0]  }
0x1f9: {  	v60 =	vld [tilespmem:s29+$0x85D0]  }
0x1fa: {  	v51 =	vmul.f32 v51, v15;
	v15 =	vld [tilespmem:s29+$0x530];
	v63 =	vadd.f32 v16, v13;
	[tilespmem:$0x1FDB0] =	vst v6;
	v6 =	vadd.f32 v12, v14  }
0x1fb: {  	v0 =	vmul.f32 v0, v1;
	v10 =	vld [tilespmem:s29+$0x8560];
	v9 =	vmul.f32 v9, v11  }
0x1fc: {  	v1 =	vadd.f32 v17, v63;
	v6 =	vadd.f32 v51, v6;
	v4 =	vmul.f32 v24, v4;
	[tilespmem:$0x1FD40] =	vst v18;
	v18 =	vld [tilespmem:s29+$0x85F0]  }
0x1fd: {  	v57 =	vld [tilespmem:s29+$0x4F0];
	v0 =	vadd.f32 v0, v2;
	v38 =	vmul.f32 v58, v56;
	v5 =	vmul.f32 v5, v7  }
0x1fe: {  	v19 =	vld [tilespmem:$0x1FCF0];
	v3 =	vadd.f32 v4, v3;
	v4 =	vadd.f32 v28, v6;
	v6 =	vperm.xlane v1, v23  }
0x1ff: {  	v29 =	vld [tilespmem:s29+$0x8530];
	v8 =	vmul.f32 v20, v25;
	v2 =	vadd.f32 v38, v0  }
0x200: {  	v59 =	vld [tilespmem:s29+$0x580];
	v5 =	vadd.f32 v5, v9;
	v1 =	vadd.f32 v1, v6;
	v6 =	vmul.f32 v48, v45  }
0x201: {  	v2 =	vadd.f32 v8, v2;
	v8 =	vperm.xlane v4, v23;
	[tilespmem:$0x1FD50] =	vst v18;
	v18 =	vld [tilespmem:s29+$0x5B0]  }
0x202: {  	v5 =	vadd.f32 v6, v5;
	v6 =	vld [tilespmem:$0x1FCC0]  }
0x203: {  	v4 =	vadd.f32 v4, v8;
	v8 =	vld [tilespmem:$0x1FCD0]  }
0x204: {  	v56 =	vld [tilespmem:s29+$0x8580]  }
0x205: {  	v43 =	vld [tilespmem:s29+$0x8520]  }
0x206: {  	v20 =	vld [tilespmem:s29+$0x510]  }
0x207: {  	v0 =	vld [tilespmem:s29+$0x8590];
	v7 =	vperm.xlane v3, v23  }
0x208: {  	[tilespmem:$0x1FD60] =	vst v18;
	v18 =	vld [tilespmem:s29+$0x85B0];
	v6 =	vmul.f32 v8, v6  }
0x209: {  	v38 =	vld [tilespmem:s29+$0x520];
	v3 =	vadd.f32 v3, v7  }
0x20a: {  	v13 =	vld [tilespmem:s29+$0x8550];
	v7 =	vperm.xlane v1, v31;
	v11 =	vperm.xlane v4, v31;
	v5 =	vadd.f32 v6, v5  }
0x20b: {  	v16 =	vld [tilespmem:s29+$0x500]  }
0x20c: {  	v12 =	vld [tilespmem:s29+$0x550];
	v1 =	vadd.f32 v1, v7;
	v7 =	vadd.f32 v4, v11;
	v4 =	vperm.xlane v5, v23  }
0x20d: {  	[tilespmem:$0x1FD70] =	vst v18;
	v18 =	vld [tilespmem:s29+$0x570]  }
0x20e: {  	v51 =	vadd.f32 v5, v4;
	v4 =	vld [tilespmem:$0x1FD00]  }
0x20f: {  	[tilespmem:$0x1FDA0] =	vst v15;
	v15 =	vld [tilespmem:s29+$0x4E0]  }
0x210: {  	v14 =	vld [tilespmem:$0x1FCE0];
	v9 =	vperm.xlane v2, v23  }
0x211: {  	v27 =	vmul.f32 v60, v27;
	v60 =	vld [tilespmem:s29+$0x420]  }
0x212: {  	v2 =	vadd.f32 v2, v9;
	[tilespmem:$0x1FD80] =	vst v18;
	v18 =	vld [tilespmem:s29+$0x8570]  }
0x213: {  	v9 =	vperm.xlane v3, v31;
	v26 =	vmul.f32 v26, v4;
	v4 =	vld [tilespmem:$0x1FD10]  }
0x214: {  	v17 =	vld [tilespmem:s29+$0x84E0];
	v6 =	vperm.xlane v2, v31  }
0x215: {  	v63 =	vld [tilespmem:s29+$0x8430];
	v3 =	vadd.f32 v3, v9  }
0x216: {  	v24 =	vld [tilespmem:s29+$0x590];
	v28 =	vmul.f32 v19, v14;
	v2 =	vadd.f32 v2, v6;
	v6 =	vperm.xlane v1, v32  }
0x217: {  	v14 =	vmul.f32 v44, v41;
	v9 =	vperm.xlane v3, v32;
	[tilespmem:$0x1FD90] =	vst v18;
	v18 =	vld [tilespmem:s29+$0x85C0]  }
0x218: {  	v19 =	vld [tilespmem:s29+$0x8500];
	v11 =	vperm.xlane v7, v32;
	v25 =	vmul.f32 v30, v4;
	v4 =	vadd.f32 v1, v6  }
0x219: {  	v41 =	vld [tilespmem:s29+$0x8400];
	v6 =	vadd.f32 v3, v9;
	v3 =	vmul.f32 v53, v52;
	v9 =	vmul.f32 v55, v54  }
0x21a: {  	v44 =	vld [tilespmem:s29+$0x410];
	v5 =	vadd.f32 v7, v11;
	v7 =	vmul.f32 v47, v46;
	v11 =	vmul.f32 v50, v49  }
0x21b: {  	v45 =	vld [tilespmem:s29+$0x540];
	v30 =	vmul.f32 v40, v21;
	v3 =	vadd.f32 v9, v3;
	v9 =	vmul.f32 v34, v33  }
0x21c: {  	v48 =	vld [tilespmem:s29+$0x8540];
	v40 =	vmul.f32 v39, v22;
	v53 =	vmul.f32 v18, v62  }
0x21d: {  	v7 =	vadd.f32 v11, v7;
	v3 =	vadd.f32 v9, v3;
	v9 =	vld [tilespmem:$0x1FD20]  }
0x21e: {  	v1 =	vadd.f32 v14, v40;
	v11 =	vadd.f32 v27, v53;
	v27 =	vld [tilespmem:$0x1FD30]  }
0x21f: {  	v8 =	vld [tilespmem:s29+$0x4B0]  }
0x220: {  	v47 =	vld [tilespmem:s29+$0x8410];
	v1 =	vadd.f32 v25, v1;
	v25 =	vmul.f32 v42, v35  }
0x221: {  	v49 =	vld [tilespmem:s29+$0x440]  }
0x222: {  	v11 =	vadd.f32 v25, v11;
	v25 =	vld [tilespmem:$0x1FD40]  }
0x223: {  	v9 =	vmul.f32 v27, v9;
	v27 =	vld [tilespmem:$0x1FD50]  }
0x224: {  	v21 =	vld [tilespmem:s29+$0x8510]  }
0x225: {  	v22 =	vld [tilespmem:s29+$0x430];
	v7 =	vadd.f32 v30, v7  }
0x226: {  	v39 =	vld [tilespmem:s29+$0x8420]  }
0x227: {  	v24 =	vmul.f32 v0, v24;
	v55 =	vld [tilespmem:$0x1FD60];
	v7 =	vadd.f32 v26, v7;
	v26 =	vmul.f32 v56, v59  }
0x228: {  	v14 =	vld [tilespmem:s29+$0x470];
	v25 =	vmul.f32 v27, v25  }
0x229: {  	v33 =	vld [tilespmem:s29+$0x4C0];
	v1 =	vadd.f32 v28, v1;
	v24 =	vadd.f32 v24, v26;
	v26 =	vmul.f32 v37, v36  }
0x22a: {  	v34 =	vld [tilespmem:s29+$0x4D0];
	v3 =	vadd.f32 v9, v3;
	v9 =	vadd.f32 v25, v11;
	v11 =	vperm.xlane v7, v23  }
0x22b: {  	v30 =	vld [tilespmem:s29+$0x84D0]  }
0x22c: {  	v27 =	vperm.xlane v1, v23;
	v7 =	vadd.f32 v7, v11;
	v11 =	vadd.f32 v26, v24;
	v24 =	vld [tilespmem:$0x1FD70]  }
0x22d: {  	v40 =	vld [tilespmem:s29+$0x490];
	v54 =	vperm.xlane v9, v23  }
0x22e: {  	v61 =	vperm.xlane v51, v31;
	v18 =	vld [tilespmem:s29+$0x4A0];
	v1 =	vadd.f32 v1, v27  }
0x22f: {  	v35 =	vld [tilespmem:s29+$0x84C0];
	v28 =	vperm.xlane v3, v23;
	v9 =	vadd.f32 v9, v54  }
0x230: {  	v58 =	vperm.xlane v2, v32;
	v53 =	vadd.f32 v51, v61;
	v61 =	vld [tilespmem:$0x1FDA0];
	v27 =	vperm.xlane v1, v31  }
0x231: {  	v62 =	vld [tilespmem:$0x1FDB0];
	v3 =	vadd.f32 v3, v28;
	v28 =	vperm.xlane v9, v31;
	v24 =	vmul.f32 v24, v55  }
0x232: {  	v56 =	vld [tilespmem:$0x1FD80];
	v26 =	vperm.xlane v7, v31;
	v1 =	vadd.f32 v1, v27;
	v27 =	vmul.f32 v43, v38  }
0x233: {  	v38 =	vmul.f32 v48, v45;
	v50 =	vadd.f32 v9, v28;
	v9 =	vld [tilespmem:$0x1FD90];
	v11 =	vadd.f32 v24, v11  }
0x234: {  	p0 =	sne.s32 s31, $0x1F000;
	v42 =	vld [tilespmem:s29+$0x400];
	v51 =	vadd.f32 v7, v26;
	v59 =	vperm.xlane v1, v32;
	v24 =	vperm.xlane v3, v31  }
.Ltmp0:
0x235: {  	v36 =	vld [tilespmem:s29+$0x480];
	v26 =	vmul.f32 v29, v61;
	v7 =	vperm.xlane v11, v23;
	(pc) =	sbr.rel @p0 .LBB2_2-.Ltmp0, $4  }
0x236: {  	v37 =	vld [tilespmem:s29+$0x8480];
	v54 =	vperm.xlane v51, v32;
	v28 =	vmul.f32 v10, v62;
	v52 =	vadd.f32 v3, v24  }
0x237: {  	v25 =	vld [tilespmem:s29+$0x460];
	v55 =	vperm.xlane v50, v32;
	v3 =	vperm.xlane v53, v32;
	v46 =	vadd.f32 v11, v7  }
0x238: {  	v29 =	vld [tilespmem:s29+$0x8440];
	v24 =	vmul.f32 v9, v56;
	v56 =	vperm.xlane v52, v32;
	v9 =	vadd.f32 v2, v58  }
0x239: {  	s31 =	sadd.s32 $0x1000, s31;
	v10 =	vadd.f32 v53, v3;
	v53 =	vld [tilespmem:s29+$0x450];
	v11 =	vadd.f32 v1, v59;
	v32 =	vperm.xlane v46, v31  }
0x23a: {  	v1 =	vld [tilespmem:s29+$0x8450];
	v2 =	vmul.f32 v17, v15;
	v3 =	vmul.f32 v13, v12  }
0x23b: {  	v7 =	vadd.f32 v51, v54;
	v59 =	vld [tilespmem:s29+$0x8490];
	v61 =	vmul.f32 v19, v16;
	v62 =	vmul.f32 v21, v20  }
0x23c: {  	v16 =	vadd.f32 v52, v56;
	v63 =	vmul.f32 v63, v22;
	v43 =	vld [tilespmem:s29+$0x8460];
	v45 =	vmul.f32 v35, v33  }
0x23d: {  	v21 =	vadd.f32 v50, v55;
	v23 =	vld [tilespmem:s29+$0x84A0];
	v31 =	vmul.f32 v41, v42;
	v50 =	vmul.f32 v47, v44  }
0x23e: {  	v30 =	vmul.f32 v30, v34;
	v51 =	vld [tilespmem:s29+$0x8470];
	v32 =	vadd.f32 v46, v32;
	v3 =	vadd.f32 v3, v38  }
0x23f: {  	v48 =	vmul.f32 v39, v60;
	v54 =	vld [tilespmem:s29+$0x84F0];
	v13 =	vadd.f32 v62, v61;
	v55 =	vadd.f32 v50, v31  }
0x240: {  	v52 =	vld [tilespmem:s29+$0x84B0];
	v20 =	vadd.f32 v30, v45;
	v29 =	vmul.f32 v29, v49;
	v1 =	vmul.f32 v1, v53  }
0x241: {  	v3 =	vadd.f32 v28, v3;
	v53 =	vmul.f32 v37, v36;
	v12 =	vmul.f32 v59, v40  }
0x242: {  	v15 =	vadd.f32 v48, v55;
	v19 =	vmul.f32 v43, v25;
	v1 =	vadd.f32 v1, v29  }
0x243: {  	v2 =	vadd.f32 v2, v20;
	v18 =	vmul.f32 v23, v18;
	v59 =	vld [tilespmem:$0x1FFC0];
	v12 =	vadd.f32 v12, v53  }
0x244: {  	v14 =	vmul.f32 v51, v14;
	v0 =	vmul.f32 v54, v57;
	v57 =	vld [tilespmem:$0x1FFE0];
	v1 =	vadd.f32 v19, v1  }
0x245: {  	v56 =	vadd.f32 v27, v13;
	v8 =	vmul.f32 v52, v8;
	v12 =	vadd.f32 v18, v12  }
0x246: {  	v15 =	vadd.f32 v63, v15;
	v1 =	vadd.f32 v14, v1  }
0x247: {  	v8 =	vadd.f32 v8, v12;
	v12 =	vadd.f32 v26, v56;
	v26 =	vld [tilespmem:$0x1FFD0]  }
0x248: {  	v0 =	vadd.f32 v0, v2;
	v60 =	vperm.xlane v15, v59;
	v61 =	vperm.xlane v1, v59  }
0x249: {  	v3 =	vadd.f32 v24, v3;
	v58 =	vperm.xlane v32, v57;
	v62 =	vperm.xlane v8, v59  }
0x24a: {  	v63 =	vperm.xlane v0, v59;
	v14 =	vadd.f32 v15, v60;
	v1 =	vadd.f32 v1, v61  }
0x24b: {  	v25 =	vperm.xlane v3, v59;
	v24 =	vperm.xlane v12, v59;
	v2 =	vadd.f32 v8, v62  }
0x24c: {  	v0 =	vadd.f32 v0, v63;
	v27 =	vperm.xlane v14, v26;
	v28 =	vperm.xlane v1, v26  }
0x24d: {  	v3 =	vadd.f32 v3, v25;
	v8 =	vadd.f32 v12, v24;
	v29 =	vperm.xlane v2, v26  }
0x24e: {  	v31 =	vperm.xlane v0, v26;
	v30 =	vadd.f32 v14, v27;
	v1 =	vadd.f32 v1, v28  }
0x24f: {  	v37 =	vld [tilespmem:$0x1FFF0];
	v17 =	vperm.xlane v3, v26;
	v33 =	vperm.xlane v8, v26;
	v2 =	vadd.f32 v2, v29  }
0x250: {  	v0 =	vadd.f32 v0, v31;
	v18 =	vperm.xlane v30, v57;
	v19 =	vperm.xlane v1, v57  }
0x251: {  	v3 =	vadd.f32 v3, v17;
	v8 =	vadd.f32 v8, v33;
	v34 =	vperm.xlane v2, v57  }
0x252: {  	v35 =	vperm.xlane v0, v57;
	v12 =	vadd.f32 v30, v18;
	v1 =	vadd.f32 v1, v19  }
0x253: {  	v17 =	vperm.xlane v3, v57;
	v36 =	vperm.xlane v8, v57;
	v2 =	vadd.f32 v2, v34  }
0x254: {  	v0 =	vadd.f32 v0, v35;
	v18 =	vperm.xlane v12, v37;
	v19 =	vperm.xlane v1, v37  }
0x255: {  	v3 =	vadd.f32 v3, v17;
	v8 =	vadd.f32 v8, v36;
	v38 =	vperm.xlane v2, v37  }
0x256: {  	v39 =	vperm.xlane v0, v37;
	v12 =	vadd.f32 v12, v18;
	v1 =	vadd.f32 v1, v19  }
0x257: {  	v13 =	vadd.f32 v32, v58;
	v40 =	vperm.xlane v8, v37;
	v2 =	vadd.f32 v2, v38  }
0x258: {  	v41 =	vperm.xlane v3, v37;
	v0 =	vadd.f32 v0, v39;
	v1 =	vsel vm0, v12, v1  }
0x259: {  	v43 =	vperm.xlane v13, v37;
	v42 =	vadd.f32 v8, v40;
	v1 =	vsel vm1, v1, v2  }
0x25a: {  	v45 =	vperm.xlane v21, v37;
	v44 =	vadd.f32 v3, v41;
	v0 =	vsel vm2, v1, v0  }
0x25b: {  	v47 =	vperm.xlane v16, v37;
	v46 =	vadd.f32 v13, v43;
	v0 =	vsel vm3, v0, v42  }
0x25c: {  	v49 =	vperm.xlane v7, v37;
	v48 =	vadd.f32 v21, v45;
	v0 =	vsel vm4, v0, v44  }
0x25d: {  	v51 =	vperm.xlane v11, v37;
	v50 =	vadd.f32 v16, v47;
	v0 =	vsel vm5, v0, v46  }
0x25e: {  	v53 =	vperm.xlane v10, v37;
	v52 =	vadd.f32 v7, v49;
	v0 =	vsel vm6, v0, v48  }
0x25f: {  	v55 =	vperm.xlane v9, v37;
	v54 =	vadd.f32 v11, v51;
	v0 =	vsel vm7, v0, v50  }
0x260: {  	v56 =	vadd.f32 v10, v53;
	v57 =	vperm.xlane v6, v37;
	v0 =	vsel vm8, v0, v52  }
0x261: {  	v58 =	vadd.f32 v9, v55;
	v59 =	vperm.xlane v5, v37;
	v0 =	vsel vm9, v0, v54  }
0x262: {  	v61 =	vperm.xlane v4, v37;
	v60 =	vadd.f32 v6, v57;
	v0 =	vsel vm10, v0, v56  }
0x263: {  	v62 =	vadd.f32 v5, v59;
	v0 =	vsel vm11, v0, v58  }
0x264: {  	v63 =	vadd.f32 v4, v61;
	v0 =	vsel vm12, v0, v60  }
0x265: {  	s28 =	sadd.s32 $0x1, s28;
	v0 =	vsel vm13, v0, v62  }
0x266: {  	s31 =	sadd.s32 $0x10, s30;
	p0 =	sne.s32 s28, s8;
	v0 =	vsel vm14, v0, v63  }
.Ltmp1:
0x267: {  	[tilespmem:s31+$0x0] =	vst v0;
	(pc) =	sbr.rel @p0 .LBB2_1-.Ltmp1, $4  }
0x268: {  	[hbm4b:s7+s1] =	stream.linear.scatter [tilespmem:s26], [sflag:$0x2], $0x200, $0x38;
	[tilespmem:$0x10600] =	vst v63  }
0x269: {  	_ =	swait.ge [sflag:s9], $0x200  }
0x26a: {  	[sflag:s9] =	ssyncset.done $0x0  }
0x26b: {  	[sflag:s9] =	ssyncadd.s32 $0xFFFFFE00  }
0x26c: {  	_ =	sfence.sel $0x180000  }
0x26d: {  	[bflag:$0x0] =	sbarrier.arrive $0xFFFF  }
0x26e: {  	p0 =	sne.s32 s2, $0x0;
	_ =	strace $0x90000047  }
0x26f: {  	s0 =	sadd.s32 @!p0 $0x100000, s0;
	[bflag:$0x2] =	sbarrier.arrive $0xFFFF  }
0x270: {  	[sflag:s0] =	ssyncadd.tile.s32 @!p0 $0x1;
	_ =	shalt  }
.Lfunc_end2:
_tile_overlayer_lowered:
.L_overlay_start_2:
0x271: {  	(tag) =	ssettag $0x2  }
0x272: {  	s0 =	rddreg [dreg:$0x0];
	s2 =	stileid.u32  }
0x273: {  	s1 =	rddreg [dreg:$0x1];
	p0 =	sne.s32 s2, $0x0  }
0x274: {  	s3 =	rddreg [dreg:$0x2];
	[bflag:$0x3] =	sbarrier.arrive $0xFFFF;
	s2 =	simm.s32 @!p0 $0x1C02  }
0x275: {  	[timem:s3], [sflag:s2] =	dma.local @!p0 [hbm:s0], s1  }
0x276: {  	s0 =	simm.s32 @!p0 $0x2  }
0x277: {  	_ =	swait.ge @!p0 [sflag:s0], s1  }
0x278: {  	s1 =	ssub.s32 @!p0 $0x0, s1;
	[sflag:s0] =	ssyncset.done @!p0 $0x0  }
0x279: {  	[sflag:s0] =	ssyncadd.s32 @!p0 s1  }
0x27a: {  	[bflag:$0x3] =	sbarrier.arrive $0xFFFF  }
0x27b: {  	_ =	shalt  }

</sc_bundles>
